<compile_context>
chip_gen: v7x
topology: tpu7x:2x2x1
jax: 0.10.2.dev20260603
libtpu: 0.0.44.dev20260713+nightly
codegen_flags: <defaults>
</compile_context>

<pallas_src>
import functools

import jax
import jax.numpy as jnp
from jax import lax
from jax.experimental import pallas as pl
from jax.experimental.pallas import tpu as pltpu
from jax.experimental.pallas import tpu_sc as plsc

_VOCAB = 100000
_D = 768
_N_TOK = 10
_B = 4
_S = 2048

_NC = 2
_NS = 16
_NW = _NC * _NS
_L = 16

_ROWS = _B * _S
_RPW = _ROWS // _NW
_NBURST = _RPW // _L
_NSLOT = 9
_WPB = _S // _RPW

_mesh = plsc.VectorSubcoreMesh(core_axis_name="c", subcore_axis_name="s")


@functools.partial(
    pl.kernel,
    mesh=_mesh,
    out_type=jax.ShapeDtypeStruct((_ROWS, _D), jnp.float32),
    scratch_types=[
        pltpu.VMEM((_RPW,), jnp.int32),
        pltpu.VMEM((_NSLOT, _L, _D), jnp.float32),
        pltpu.VMEM((_N_TOK, _D), jnp.float32),
        pltpu.SemaphoreType.DMA,
        pltpu.SemaphoreType.DMA,
        pltpu.SemaphoreType.DMA,
    ],
)
def _soft_embed(tokens_hbm, wte_hbm, learned_hbm, out_hbm,
                tok_v, rows_v, learned_v, gsem, osem, lsem):
    wid = lax.axis_index("c") * _NS + lax.axis_index("s")
    base = wid * _RPW
    batch_start = base % _S == 0

    pltpu.sync_copy(tokens_hbm.at[pl.ds(base, _RPW)], tok_v)

    ldesc = []

    @pl.when(batch_start)
    def _():
        ldesc.append(pltpu.async_copy(learned_hbm, learned_v, lsem))

    gds = [None] * _NSLOT
    wds = [None] * _NSLOT

    def fire(i):
        slot = i % _NSLOT
        if wds[slot] is not None:
            wds[slot].wait()
            wds[slot] = None
        vidx = tok_v[pl.ds(i * _L, _L)]
        gds[slot] = pltpu.async_copy(wte_hbm.at[vidx], rows_v.at[slot], gsem)

    def drain(i):
        slot = i % _NSLOT
        gds[slot].wait()
        if i == 0:
            @pl.when(batch_start)
            def _():
                ldesc[0].wait()

                def body(c, _):
                    off = c * _L
                    for r in range(_N_TOK):
                        rows_v[slot, r, pl.ds(off, _L)] = (
                            learned_v[r, pl.ds(off, _L)])
                    return 0

                lax.fori_loop(0, _D // _L, body, 0)
        wds[slot] = pltpu.async_copy(
            rows_v.at[slot], out_hbm.at[pl.ds(base + i * _L, _L)], osem)

    for i in range(_NBURST):
        fire(i)
        j = i - (_NSLOT - 1)
        if j >= 0:
            drain(j)
    for j in range(_NBURST - (_NSLOT - 1), _NBURST):
        drain(j)
    for w in wds:
        if w is not None:
            w.wait()


def kernel(tokens, wte, learned_embedding):
    out = _soft_embed(tokens.reshape(_ROWS), wte, learned_embedding)
    return out.reshape(_B, _S, _D)

# --- scband reference (transcript-rebuilt; emitter-appended) ---
"""Pipeline reference for scband-soft-embedding-18391049961725 (READ-ONLY COPY).

The authoritative reference and input builder live on the scoring server;
editing this copy changes nothing except your own understanding.
"""

import jax, jax.numpy as jnp
import numpy as np

VOCAB = 100000
D_MODEL = 768
N_TOKENS = 10
BATCH = 4
SEQ_LEN = 2048


def setup_inputs(seed: int = 0) -> dict:
    key = jax.random.key(seed)
    k1, k2, k3 = jax.random.split(key, 3)
    tokens = jax.random.randint(k1, (BATCH, SEQ_LEN), 0, VOCAB, dtype=jnp.int32)
    wte = jax.random.normal(k2, (VOCAB, D_MODEL), dtype=jnp.float32) * 0.02
    learned_embedding = jax.random.uniform(k3, (N_TOKENS, D_MODEL), dtype=jnp.float32, minval=-0.5, maxval=0.5)
    return {"tokens": tokens, "wte": wte, "learned_embedding": learned_embedding}


def reference(tokens, wte, learned_embedding):
    # tokens.shape[1] > 1 branch of SoftEmbedding.forward
    # Embed tokens after the first n_tokens positions (those slots are replaced
    # by the learned soft-prompt embedding).
    input_embedding = jnp.take(wte, tokens[:, N_TOKENS:], axis=0)  # [B, S-n, d]
    learned = jnp.broadcast_to(
        learned_embedding[None, :, :],
        (tokens.shape[0], N_TOKENS, learned_embedding.shape[1]),
    )  # repeat(B, 1, 1)
    return jnp.concatenate([learned, input_embedding], axis=1)  # [B, S, d]

if __name__ == "__main__":
    import jax
    _d = setup_inputs()
    print(jax.jit(kernel)(*tuple(_d.values())))

</pallas_src>

<mosaic_0001>
#map = affine_map<(d0, d1) -> (0)>
#map1 = affine_map<(d0, d1) -> (0, 0)>
module attributes {stable_mosaic.version = 14 : i64} {
  func.func @_soft_embed(%arg0: i32, %arg1: i32, %arg2: memref<8192xi32, #tpu.memory_space<hbm>>, %arg3: memref<100000x768xf32, #tpu.memory_space<hbm>>, %arg4: memref<10x768xf32, #tpu.memory_space<hbm>>, %arg5: memref<8192x768xf32, #tpu.memory_space<hbm>>, %arg6: memref<256xi32, #tpu.memory_space<vmem>>, %arg7: memref<9x16x768xf32, #tpu.memory_space<vmem>>, %arg8: memref<10x768xf32, #tpu.memory_space<vmem>>, %arg9: memref<!tpu.dma_semaphore, #tpu.memory_space<semaphore_mem>>, %arg10: memref<!tpu.dma_semaphore, #tpu.memory_space<semaphore_mem>>, %arg11: memref<!tpu.dma_semaphore, #tpu.memory_space<semaphore_mem>>) attributes {dimension_semantics = [#tpu.dimension_semantics<core_parallel>, #tpu.dimension_semantics<subcore_parallel>], iteration_bounds = array<i64: 2, 16>, scalar_prefetch = 0 : i64, scratch_operands = 6 : i64, tpu.core_type = #tpu.core_type<sc_vector_subcore>, window_params = [{transform_indices = #map}, {transform_indices = #map1}, {transform_indices = #map1}, {transform_indices = #map1}]} {
    %mul3A = arith.constant 16 : i32
    %mul3A_0 = arith.muli %arg0, %mul3A : i32
    %add3A = arith.addi %mul3A_0, %arg1 : i32
    %mul3A_1 = arith.constant 256 : i32
    %mul3A_2 = arith.muli %add3A, %mul3A_1 : i32
    %jit3A = arith.constant 2048 : i32
    %eq3A = arith.constant 0 : i32
    %eq3A_3 = arith.cmpi eq, %jit3A, %eq3A : i32
    %jit3A_4 = arith.constant 1 : i32
    %select_n3A = arith.select %eq3A_3, %jit3A_4, %jit3A : i32
    %rem3A = arith.remsi %mul3A_2, %select_n3A : i32
    %ne3A = arith.constant 0 : i32
    %ne3A_5 = arith.cmpi ne, %rem3A, %ne3A : i32
    %lt3A = arith.constant 0 : i32
    %lt3A_6 = arith.cmpi slt, %rem3A, %lt3A : i32
    %lt3A_7 = arith.constant 0 : i32
    %lt3A_8 = arith.cmpi slt, %select_n3A, %lt3A_7 : i32
    %ne3A_9 = arith.xori %lt3A_6, %lt3A_8 : i1
    %and3A = arith.andi %ne3A_9, %ne3A_5 : i1
    %add3A_10 = arith.addi %rem3A, %select_n3A : i32
    %select_n3A_11 = arith.select %and3A, %add3A_10, %rem3A : i32
    %eq3A_12 = arith.constant 0 : i32
    %eq3A_13 = arith.cmpi eq, %select_n3A_11, %eq3A_12 : i32
    "tpu.region"() ({
      %run_scoped3A = tpu.sem_alloc : memref<!tpu.dma_semaphore, #tpu.memory_space<semaphore_mem>>
      %dma_start3A_767 = tpu.memref_slice %arg2[%mul3A_2] : memref<8192xi32, #tpu.memory_space<hbm>> -> memref<256xi32, #tpu.memory_space<hbm>>
      %dma_start3A_768 = tpu.memref_slice %arg2[%mul3A_2] : memref<8192xi32, #tpu.memory_space<hbm>> -> memref<256xi32, #tpu.memory_space<hbm>>
      tpu.enqueue_dma source(%dma_start3A_768 : memref<256xi32, #tpu.memory_space<hbm>>) target(%arg6 : memref<256xi32, #tpu.memory_space<vmem>>) target_semaphore(%run_scoped3A : memref<!tpu.dma_semaphore, #tpu.memory_space<semaphore_mem>>)
      %dma_wait3A_769 = tpu.memref_slice %arg2[%mul3A_2] : memref<8192xi32, #tpu.memory_space<hbm>> -> memref<256xi32, #tpu.memory_space<hbm>>
      %dma_wait3A_770 = tpu.memref_slice %arg2[%mul3A_2] : memref<8192xi32, #tpu.memory_space<hbm>> -> memref<256xi32, #tpu.memory_space<hbm>>
      tpu.wait_dma2 semaphore(%run_scoped3A : memref<!tpu.dma_semaphore, #tpu.memory_space<semaphore_mem>>) src(%dma_wait3A_770 : memref<256xi32, #tpu.memory_space<hbm>>) dst(%arg6 : memref<256xi32, #tpu.memory_space<vmem>>)
      tpu.yield
    }) : () -> ()
    %convert_element_type3A = arith.extui %eq3A_13 : i1 to i32
    %cond3A = arith.constant 0 : i32
    %cond3A_14 = arith.cmpi ne, %convert_element_type3A, %cond3A : i32
    scf.if %cond3A_14 {
      tpu.enqueue_dma source(%arg4 : memref<10x768xf32, #tpu.memory_space<hbm>>) target(%arg8 : memref<10x768xf32, #tpu.memory_space<vmem>>) target_semaphore(%arg11 : memref<!tpu.dma_semaphore, #tpu.memory_space<semaphore_mem>>)
    } else {
    }
    %get3A = arith.constant 0 : index
    %get3A_15 = tpu.vector_load %arg6[%get3A] {strides = array<i32>} : memref<256xi32, #tpu.memory_space<vmem>>, vector<16xi32>,
    %get3A_16 = vector.shape_cast %get3A_15 : vector<16xi32> to vector<16xi32>
    %dma_start3A = arith.constant 0 : i32
    %dma_start3A_17 = arith.constant 0 : i32
    %dma_start3A_18 = arith.constant 0 : i32
    %dma_start3A_19 = tpu.memref_slice %arg7[%dma_start3A, %dma_start3A_17, %dma_start3A_18] : memref<9x16x768xf32, #tpu.memory_space<vmem>> -> memref<1x16x768xf32, #tpu.memory_space<vmem>>
    %dma_start3A_20 = tpu.memref_squeeze %dma_start3A_19 : memref<1x16x768xf32, #tpu.memory_space<vmem>> -> memref<16x768xf32, #tpu.memory_space<vmem>>
    %dma_start3A_21 = arith.constant 0 : i32
    %dma_start3A_22 = arith.constant 0 : i32
    %dma_start3A_23 = tpu.memref_slice %arg3[%dma_start3A_21, %dma_start3A_22] : memref<100000x768xf32, #tpu.memory_space<hbm>> -> memref<100000x768xf32, #tpu.memory_space<hbm>>
    tpu.enqueue_indirect_dma source(%dma_start3A_23 : memref<100000x768xf32, #tpu.memory_space<hbm>>) target(%dma_start3A_20 : memref<16x768xf32, #tpu.memory_space<vmem>>) offsets(%get3A_16 : vector<16xi32>) semaphore(%arg9 : memref<!tpu.dma_semaphore, #tpu.memory_space<semaphore_mem>>)
    %get3A_24 = arith.constant 16 : index
    %get3A_25 = tpu.vector_load %arg6[%get3A_24] {strides = array<i32>} : memref<256xi32, #tpu.memory_space<vmem>>, vector<16xi32>,
    %get3A_26 = vector.shape_cast %get3A_25 : vector<16xi32> to vector<16xi32>
    %dma_start3A_27 = arith.constant 1 : i32
    %dma_start3A_28 = arith.constant 0 : i32
    %dma_start3A_29 = arith.constant 0 : i32
    %dma_start3A_30 = tpu.memref_slice %arg7[%dma_start3A_27, %dma_start3A_28, %dma_start3A_29] : memref<9x16x768xf32, #tpu.memory_space<vmem>> -> memref<1x16x768xf32, #tpu.memory_space<vmem>>
    %dma_start3A_31 = tpu.memref_squeeze %dma_start3A_30 : memref<1x16x768xf32, #tpu.memory_space<vmem>> -> memref<16x768xf32, #tpu.memory_space<vmem>>
    %dma_start3A_32 = arith.constant 0 : i32
    %dma_start3A_33 = arith.constant 0 : i32
    %dma_start3A_34 = tpu.memref_slice %arg3[%dma_start3A_32, %dma_start3A_33] : memref<100000x768xf32, #tpu.memory_space<hbm>> -> memref<100000x768xf32, #tpu.memory_space<hbm>>
    tpu.enqueue_indirect_dma source(%dma_start3A_34 : memref<100000x768xf32, #tpu.memory_space<hbm>>) target(%dma_start3A_31 : memref<16x768xf32, #tpu.memory_space<vmem>>) offsets(%get3A_26 : vector<16xi32>) semaphore(%arg9 : memref<!tpu.dma_semaphore, #tpu.memory_space<semaphore_mem>>)
    %get3A_35 = arith.constant 32 : index
    %get3A_36 = tpu.vector_load %arg6[%get3A_35] {strides = array<i32>} : memref<256xi32, #tpu.memory_space<vmem>>, vector<16xi32>,
    %get3A_37 = vector.shape_cast %get3A_36 : vector<16xi32> to vector<16xi32>
    %dma_start3A_38 = arith.constant 2 : i32
    %dma_start3A_39 = arith.constant 0 : i32
    %dma_start3A_40 = arith.constant 0 : i32
    %dma_start3A_41 = tpu.memref_slice %arg7[%dma_start3A_38, %dma_start3A_39, %dma_start3A_40] : memref<9x16x768xf32, #tpu.memory_space<vmem>> -> memref<1x16x768xf32, #tpu.memory_space<vmem>>
    %dma_start3A_42 = tpu.memref_squeeze %dma_start3A_41 : memref<1x16x768xf32, #tpu.memory_space<vmem>> -> memref<16x768xf32, #tpu.memory_space<vmem>>
    %dma_start3A_43 = arith.constant 0 : i32
    %dma_start3A_44 = arith.constant 0 : i32
    %dma_start3A_45 = tpu.memref_slice %arg3[%dma_start3A_43, %dma_start3A_44] : memref<100000x768xf32, #tpu.memory_space<hbm>> -> memref<100000x768xf32, #tpu.memory_space<hbm>>
    tpu.enqueue_indirect_dma source(%dma_start3A_45 : memref<100000x768xf32, #tpu.memory_space<hbm>>) target(%dma_start3A_42 : memref<16x768xf32, #tpu.memory_space<vmem>>) offsets(%get3A_37 : vector<16xi32>) semaphore(%arg9 : memref<!tpu.dma_semaphore, #tpu.memory_space<semaphore_mem>>)
    %get3A_46 = arith.constant 48 : index
    %get3A_47 = tpu.vector_load %arg6[%get3A_46] {strides = array<i32>} : memref<256xi32, #tpu.memory_space<vmem>>, vector<16xi32>,
    %get3A_48 = vector.shape_cast %get3A_47 : vector<16xi32> to vector<16xi32>
    %dma_start3A_49 = arith.constant 3 : i32
    %dma_start3A_50 = arith.constant 0 : i32
    %dma_start3A_51 = arith.constant 0 : i32
    %dma_start3A_52 = tpu.memref_slice %arg7[%dma_start3A_49, %dma_start3A_50, %dma_start3A_51] : memref<9x16x768xf32, #tpu.memory_space<vmem>> -> memref<1x16x768xf32, #tpu.memory_space<vmem>>
    %dma_start3A_53 = tpu.memref_squeeze %dma_start3A_52 : memref<1x16x768xf32, #tpu.memory_space<vmem>> -> memref<16x768xf32, #tpu.memory_space<vmem>>
    %dma_start3A_54 = arith.constant 0 : i32
    %dma_start3A_55 = arith.constant 0 : i32
    %dma_start3A_56 = tpu.memref_slice %arg3[%dma_start3A_54, %dma_start3A_55] : memref<100000x768xf32, #tpu.memory_space<hbm>> -> memref<100000x768xf32, #tpu.memory_space<hbm>>
    tpu.enqueue_indirect_dma source(%dma_start3A_56 : memref<100000x768xf32, #tpu.memory_space<hbm>>) target(%dma_start3A_53 : memref<16x768xf32, #tpu.memory_space<vmem>>) offsets(%get3A_48 : vector<16xi32>) semaphore(%arg9 : memref<!tpu.dma_semaphore, #tpu.memory_space<semaphore_mem>>)
    %get3A_57 = arith.constant 64 : index
    %get3A_58 = tpu.vector_load %arg6[%get3A_57] {strides = array<i32>} : memref<256xi32, #tpu.memory_space<vmem>>, vector<16xi32>,
    %get3A_59 = vector.shape_cast %get3A_58 : vector<16xi32> to vector<16xi32>
    %dma_start3A_60 = arith.constant 4 : i32
    %dma_start3A_61 = arith.constant 0 : i32
    %dma_start3A_62 = arith.constant 0 : i32
    %dma_start3A_63 = tpu.memref_slice %arg7[%dma_start3A_60, %dma_start3A_61, %dma_start3A_62] : memref<9x16x768xf32, #tpu.memory_space<vmem>> -> memref<1x16x768xf32, #tpu.memory_space<vmem>>
    %dma_start3A_64 = tpu.memref_squeeze %dma_start3A_63 : memref<1x16x768xf32, #tpu.memory_space<vmem>> -> memref<16x768xf32, #tpu.memory_space<vmem>>
    %dma_start3A_65 = arith.constant 0 : i32
    %dma_start3A_66 = arith.constant 0 : i32
    %dma_start3A_67 = tpu.memref_slice %arg3[%dma_start3A_65, %dma_start3A_66] : memref<100000x768xf32, #tpu.memory_space<hbm>> -> memref<100000x768xf32, #tpu.memory_space<hbm>>
    tpu.enqueue_indirect_dma source(%dma_start3A_67 : memref<100000x768xf32, #tpu.memory_space<hbm>>) target(%dma_start3A_64 : memref<16x768xf32, #tpu.memory_space<vmem>>) offsets(%get3A_59 : vector<16xi32>) semaphore(%arg9 : memref<!tpu.dma_semaphore, #tpu.memory_space<semaphore_mem>>)
    %get3A_68 = arith.constant 80 : index
    %get3A_69 = tpu.vector_load %arg6[%get3A_68] {strides = array<i32>} : memref<256xi32, #tpu.memory_space<vmem>>, vector<16xi32>,
    %get3A_70 = vector.shape_cast %get3A_69 : vector<16xi32> to vector<16xi32>
    %dma_start3A_71 = arith.constant 5 : i32
    %dma_start3A_72 = arith.constant 0 : i32
    %dma_start3A_73 = arith.constant 0 : i32
    %dma_start3A_74 = tpu.memref_slice %arg7[%dma_start3A_71, %dma_start3A_72, %dma_start3A_73] : memref<9x16x768xf32, #tpu.memory_space<vmem>> -> memref<1x16x768xf32, #tpu.memory_space<vmem>>
    %dma_start3A_75 = tpu.memref_squeeze %dma_start3A_74 : memref<1x16x768xf32, #tpu.memory_space<vmem>> -> memref<16x768xf32, #tpu.memory_space<vmem>>
    %dma_start3A_76 = arith.constant 0 : i32
    %dma_start3A_77 = arith.constant 0 : i32
    %dma_start3A_78 = tpu.memref_slice %arg3[%dma_start3A_76, %dma_start3A_77] : memref<100000x768xf32, #tpu.memory_space<hbm>> -> memref<100000x768xf32, #tpu.memory_space<hbm>>
    tpu.enqueue_indirect_dma source(%dma_start3A_78 : memref<100000x768xf32, #tpu.memory_space<hbm>>) target(%dma_start3A_75 : memref<16x768xf32, #tpu.memory_space<vmem>>) offsets(%get3A_70 : vector<16xi32>) semaphore(%arg9 : memref<!tpu.dma_semaphore, #tpu.memory_space<semaphore_mem>>)
    %get3A_79 = arith.constant 96 : index
    %get3A_80 = tpu.vector_load %arg6[%get3A_79] {strides = array<i32>} : memref<256xi32, #tpu.memory_space<vmem>>, vector<16xi32>,
    %get3A_81 = vector.shape_cast %get3A_80 : vector<16xi32> to vector<16xi32>
    %dma_start3A_82 = arith.constant 6 : i32
    %dma_start3A_83 = arith.constant 0 : i32
    %dma_start3A_84 = arith.constant 0 : i32
    %dma_start3A_85 = tpu.memref_slice %arg7[%dma_start3A_82, %dma_start3A_83, %dma_start3A_84] : memref<9x16x768xf32, #tpu.memory_space<vmem>> -> memref<1x16x768xf32, #tpu.memory_space<vmem>>
    %dma_start3A_86 = tpu.memref_squeeze %dma_start3A_85 : memref<1x16x768xf32, #tpu.memory_space<vmem>> -> memref<16x768xf32, #tpu.memory_space<vmem>>
    %dma_start3A_87 = arith.constant 0 : i32
    %dma_start3A_88 = arith.constant 0 : i32
    %dma_start3A_89 = tpu.memref_slice %arg3[%dma_start3A_87, %dma_start3A_88] : memref<100000x768xf32, #tpu.memory_space<hbm>> -> memref<100000x768xf32, #tpu.memory_space<hbm>>
    tpu.enqueue_indirect_dma source(%dma_start3A_89 : memref<100000x768xf32, #tpu.memory_space<hbm>>) target(%dma_start3A_86 : memref<16x768xf32, #tpu.memory_space<vmem>>) offsets(%get3A_81 : vector<16xi32>) semaphore(%arg9 : memref<!tpu.dma_semaphore, #tpu.memory_space<semaphore_mem>>)
    %get3A_90 = arith.constant 112 : index
    %get3A_91 = tpu.vector_load %arg6[%get3A_90] {strides = array<i32>} : memref<256xi32, #tpu.memory_space<vmem>>, vector<16xi32>,
    %get3A_92 = vector.shape_cast %get3A_91 : vector<16xi32> to vector<16xi32>
    %dma_start3A_93 = arith.constant 7 : i32
    %dma_start3A_94 = arith.constant 0 : i32
    %dma_start3A_95 = arith.constant 0 : i32
    %dma_start3A_96 = tpu.memref_slice %arg7[%dma_start3A_93, %dma_start3A_94, %dma_start3A_95] : memref<9x16x768xf32, #tpu.memory_space<vmem>> -> memref<1x16x768xf32, #tpu.memory_space<vmem>>
    %dma_start3A_97 = tpu.memref_squeeze %dma_start3A_96 : memref<1x16x768xf32, #tpu.memory_space<vmem>> -> memref<16x768xf32, #tpu.memory_space<vmem>>
    %dma_start3A_98 = arith.constant 0 : i32
    %dma_start3A_99 = arith.constant 0 : i32
    %dma_start3A_100 = tpu.memref_slice %arg3[%dma_start3A_98, %dma_start3A_99] : memref<100000x768xf32, #tpu.memory_space<hbm>> -> memref<100000x768xf32, #tpu.memory_space<hbm>>
    tpu.enqueue_indirect_dma source(%dma_start3A_100 : memref<100000x768xf32, #tpu.memory_space<hbm>>) target(%dma_start3A_97 : memref<16x768xf32, #tpu.memory_space<vmem>>) offsets(%get3A_92 : vector<16xi32>) semaphore(%arg9 : memref<!tpu.dma_semaphore, #tpu.memory_space<semaphore_mem>>)
    %get3A_101 = arith.constant 128 : index
    %get3A_102 = tpu.vector_load %arg6[%get3A_101] {strides = array<i32>} : memref<256xi32, #tpu.memory_space<vmem>>, vector<16xi32>,
    %get3A_103 = vector.shape_cast %get3A_102 : vector<16xi32> to vector<16xi32>
    %dma_start3A_104 = arith.constant 8 : i32
    %dma_start3A_105 = arith.constant 0 : i32
    %dma_start3A_106 = arith.constant 0 : i32
    %dma_start3A_107 = tpu.memref_slice %arg7[%dma_start3A_104, %dma_start3A_105, %dma_start3A_106] : memref<9x16x768xf32, #tpu.memory_space<vmem>> -> memref<1x16x768xf32, #tpu.memory_space<vmem>>
    %dma_start3A_108 = tpu.memref_squeeze %dma_start3A_107 : memref<1x16x768xf32, #tpu.memory_space<vmem>> -> memref<16x768xf32, #tpu.memory_space<vmem>>
    %dma_start3A_109 = arith.constant 0 : i32
    %dma_start3A_110 = arith.constant 0 : i32
    %dma_start3A_111 = tpu.memref_slice %arg3[%dma_start3A_109, %dma_start3A_110] : memref<100000x768xf32, #tpu.memory_space<hbm>> -> memref<100000x768xf32, #tpu.memory_space<hbm>>
    tpu.enqueue_indirect_dma source(%dma_start3A_111 : memref<100000x768xf32, #tpu.memory_space<hbm>>) target(%dma_start3A_108 : memref<16x768xf32, #tpu.memory_space<vmem>>) offsets(%get3A_103 : vector<16xi32>) semaphore(%arg9 : memref<!tpu.dma_semaphore, #tpu.memory_space<semaphore_mem>>)
    %dma_wait3A = arith.constant 0 : i32
    %dma_wait3A_112 = arith.constant 0 : i32
    %dma_wait3A_113 = arith.constant 0 : i32
    %dma_wait3A_114 = tpu.memref_slice %arg7[%dma_wait3A, %dma_wait3A_112, %dma_wait3A_113] : memref<9x16x768xf32, #tpu.memory_space<vmem>> -> memref<1x16x768xf32, #tpu.memory_space<vmem>>
    %dma_wait3A_115 = tpu.memref_squeeze %dma_wait3A_114 : memref<1x16x768xf32, #tpu.memory_space<vmem>> -> memref<16x768xf32, #tpu.memory_space<vmem>>
    %dma_wait3A_116 = arith.constant 0 : i32
    %dma_wait3A_117 = arith.constant 0 : i32
    %dma_wait3A_118 = tpu.memref_slice %arg3[%dma_wait3A_116, %dma_wait3A_117] : memref<100000x768xf32, #tpu.memory_space<hbm>> -> memref<100000x768xf32, #tpu.memory_space<hbm>>
    tpu.wait_indirect_dma semaphore(%arg9 : memref<!tpu.dma_semaphore, #tpu.memory_space<semaphore_mem>>) src(%dma_wait3A_118 : memref<100000x768xf32, #tpu.memory_space<hbm>>) dst(%dma_wait3A_115 : memref<16x768xf32, #tpu.memory_space<vmem>>)
    %convert_element_type3A_119 = arith.extui %eq3A_13 : i1 to i32
    %cond3A_120 = arith.constant 0 : i32
    %cond3A_121 = arith.cmpi ne, %convert_element_type3A_119, %cond3A_120 : i32
    scf.if %cond3A_121 {
      tpu.wait_dma2 semaphore(%arg11 : memref<!tpu.dma_semaphore, #tpu.memory_space<semaphore_mem>>) src(%arg4 : memref<10x768xf32, #tpu.memory_space<hbm>>) dst(%arg8 : memref<10x768xf32, #tpu.memory_space<vmem>>)
      %scan3A = arith.constant 0 : i32
      %scan3A_767 = arith.constant 0 : i32
      %scan3A_768 = arith.constant 48 : i32
      %scan3A_769 = arith.addi %scan3A_767, %scan3A_768 : i32
      %scan3A_770 = arith.constant 1 : i32
      %scan3A_771 = scf.for %scan3A_773 = %scan3A_767 to %scan3A_769 step %scan3A_770 iter_args(%scan3A_774 = %scan3A) -> (i32)  : i32 {
        %mul3A_775 = arith.constant 16 : i32
        %mul3A_776 = arith.muli %scan3A_773, %mul3A_775 : i32
        %get3A_777 = arith.constant 0 : i32
        %get3A_778 = arith.index_cast %get3A_777 : i32 to index
        %get3A_779 = arith.index_cast %mul3A_776 : i32 to index
        %get3A_780 = tpu.vector_load %arg8[%get3A_778, %get3A_779] {strides = array<i32>} : memref<10x768xf32, #tpu.memory_space<vmem>>, vector<1x16xf32>,
        %get3A_781 = vector.shape_cast %get3A_780 : vector<1x16xf32> to vector<16xf32>
        %swap3A = arith.constant 0 : i32
        %swap3A_782 = arith.constant 0 : i32
        %swap3A_783 = arith.index_cast %swap3A : i32 to index
        %swap3A_784 = arith.index_cast %swap3A_782 : i32 to index
        %swap3A_785 = arith.index_cast %mul3A_776 : i32 to index
        %swap3A_786 = tpu.vector_load %arg7[%swap3A_783, %swap3A_784, %swap3A_785] {strides = array<i32>} : memref<9x16x768xf32, #tpu.memory_space<vmem>>, vector<1x1x16xf32>,
        %swap3A_787 = vector.shape_cast %swap3A_786 : vector<1x1x16xf32> to vector<16xf32>
        %swap3A_788 = vector.shape_cast %get3A_781 : vector<16xf32> to vector<1x1x16xf32>
        tpu.vector_store %arg7[%swap3A_783, %swap3A_784, %swap3A_785], %swap3A_788 {strides = array<i32>} : memref<9x16x768xf32, #tpu.memory_space<vmem>>, vector<1x1x16xf32>,
        %get3A_789 = arith.constant 1 : i32
        %get3A_790 = arith.index_cast %get3A_789 : i32 to index
        %get3A_791 = arith.index_cast %mul3A_776 : i32 to index
        %get3A_792 = tpu.vector_load %arg8[%get3A_790, %get3A_791] {strides = array<i32>} : memref<10x768xf32, #tpu.memory_space<vmem>>, vector<1x16xf32>,
        %get3A_793 = vector.shape_cast %get3A_792 : vector<1x16xf32> to vector<16xf32>
        %swap3A_794 = arith.constant 0 : i32
        %swap3A_795 = arith.constant 1 : i32
        %swap3A_796 = arith.index_cast %swap3A_794 : i32 to index
        %swap3A_797 = arith.index_cast %swap3A_795 : i32 to index
        %swap3A_798 = arith.index_cast %mul3A_776 : i32 to index
        %swap3A_799 = tpu.vector_load %arg7[%swap3A_796, %swap3A_797, %swap3A_798] {strides = array<i32>} : memref<9x16x768xf32, #tpu.memory_space<vmem>>, vector<1x1x16xf32>,
        %swap3A_800 = vector.shape_cast %swap3A_799 : vector<1x1x16xf32> to vector<16xf32>
        %swap3A_801 = vector.shape_cast %get3A_793 : vector<16xf32> to vector<1x1x16xf32>
        tpu.vector_store %arg7[%swap3A_796, %swap3A_797, %swap3A_798], %swap3A_801 {strides = array<i32>} : memref<9x16x768xf32, #tpu.memory_space<vmem>>, vector<1x1x16xf32>,
        %get3A_802 = arith.constant 2 : i32
        %get3A_803 = arith.index_cast %get3A_802 : i32 to index
        %get3A_804 = arith.index_cast %mul3A_776 : i32 to index
        %get3A_805 = tpu.vector_load %arg8[%get3A_803, %get3A_804] {strides = array<i32>} : memref<10x768xf32, #tpu.memory_space<vmem>>, vector<1x16xf32>,
        %get3A_806 = vector.shape_cast %get3A_805 : vector<1x16xf32> to vector<16xf32>
        %swap3A_807 = arith.constant 0 : i32
        %swap3A_808 = arith.constant 2 : i32
        %swap3A_809 = arith.index_cast %swap3A_807 : i32 to index
        %swap3A_810 = arith.index_cast %swap3A_808 : i32 to index
        %swap3A_811 = arith.index_cast %mul3A_776 : i32 to index
        %swap3A_812 = tpu.vector_load %arg7[%swap3A_809, %swap3A_810, %swap3A_811] {strides = array<i32>} : memref<9x16x768xf32, #tpu.memory_space<vmem>>, vector<1x1x16xf32>,
        %swap3A_813 = vector.shape_cast %swap3A_812 : vector<1x1x16xf32> to vector<16xf32>
        %swap3A_814 = vector.shape_cast %get3A_806 : vector<16xf32> to vector<1x1x16xf32>
        tpu.vector_store %arg7[%swap3A_809, %swap3A_810, %swap3A_811], %swap3A_814 {strides = array<i32>} : memref<9x16x768xf32, #tpu.memory_space<vmem>>, vector<1x1x16xf32>,
        %get3A_815 = arith.constant 3 : i32
        %get3A_816 = arith.index_cast %get3A_815 : i32 to index
        %get3A_817 = arith.index_cast %mul3A_776 : i32 to index
        %get3A_818 = tpu.vector_load %arg8[%get3A_816, %get3A_817] {strides = array<i32>} : memref<10x768xf32, #tpu.memory_space<vmem>>, vector<1x16xf32>,
        %get3A_819 = vector.shape_cast %get3A_818 : vector<1x16xf32> to vector<16xf32>
        %swap3A_820 = arith.constant 0 : i32
        %swap3A_821 = arith.constant 3 : i32
        %swap3A_822 = arith.index_cast %swap3A_820 : i32 to index
        %swap3A_823 = arith.index_cast %swap3A_821 : i32 to index
        %swap3A_824 = arith.index_cast %mul3A_776 : i32 to index
        %swap3A_825 = tpu.vector_load %arg7[%swap3A_822, %swap3A_823, %swap3A_824] {strides = array<i32>} : memref<9x16x768xf32, #tpu.memory_space<vmem>>, vector<1x1x16xf32>,
        %swap3A_826 = vector.shape_cast %swap3A_825 : vector<1x1x16xf32> to vector<16xf32>
        %swap3A_827 = vector.shape_cast %get3A_819 : vector<16xf32> to vector<1x1x16xf32>
        tpu.vector_store %arg7[%swap3A_822, %swap3A_823, %swap3A_824], %swap3A_827 {strides = array<i32>} : memref<9x16x768xf32, #tpu.memory_space<vmem>>, vector<1x1x16xf32>,
        %get3A_828 = arith.constant 4 : i32
        %get3A_829 = arith.index_cast %get3A_828 : i32 to index
        %get3A_830 = arith.index_cast %mul3A_776 : i32 to index
        %get3A_831 = tpu.vector_load %arg8[%get3A_829, %get3A_830] {strides = array<i32>} : memref<10x768xf32, #tpu.memory_space<vmem>>, vector<1x16xf32>,
        %get3A_832 = vector.shape_cast %get3A_831 : vector<1x16xf32> to vector<16xf32>
        %swap3A_833 = arith.constant 0 : i32
        %swap3A_834 = arith.constant 4 : i32
        %swap3A_835 = arith.index_cast %swap3A_833 : i32 to index
        %swap3A_836 = arith.index_cast %swap3A_834 : i32 to index
        %swap3A_837 = arith.index_cast %mul3A_776 : i32 to index
        %swap3A_838 = tpu.vector_load %arg7[%swap3A_835, %swap3A_836, %swap3A_837] {strides = array<i32>} : memref<9x16x768xf32, #tpu.memory_space<vmem>>, vector<1x1x16xf32>,
        %swap3A_839 = vector.shape_cast %swap3A_838 : vector<1x1x16xf32> to vector<16xf32>
        %swap3A_840 = vector.shape_cast %get3A_832 : vector<16xf32> to vector<1x1x16xf32>
        tpu.vector_store %arg7[%swap3A_835, %swap3A_836, %swap3A_837], %swap3A_840 {strides = array<i32>} : memref<9x16x768xf32, #tpu.memory_space<vmem>>, vector<1x1x16xf32>,
        %get3A_841 = arith.constant 5 : i32
        %get3A_842 = arith.index_cast %get3A_841 : i32 to index
        %get3A_843 = arith.index_cast %mul3A_776 : i32 to index
        %get3A_844 = tpu.vector_load %arg8[%get3A_842, %get3A_843] {strides = array<i32>} : memref<10x768xf32, #tpu.memory_space<vmem>>, vector<1x16xf32>,
        %get3A_845 = vector.shape_cast %get3A_844 : vector<1x16xf32> to vector<16xf32>
        %swap3A_846 = arith.constant 0 : i32
        %swap3A_847 = arith.constant 5 : i32
        %swap3A_848 = arith.index_cast %swap3A_846 : i32 to index
        %swap3A_849 = arith.index_cast %swap3A_847 : i32 to index
        %swap3A_850 = arith.index_cast %mul3A_776 : i32 to index
        %swap3A_851 = tpu.vector_load %arg7[%swap3A_848, %swap3A_849, %swap3A_850] {strides = array<i32>} : memref<9x16x768xf32, #tpu.memory_space<vmem>>, vector<1x1x16xf32>,
        %swap3A_852 = vector.shape_cast %swap3A_851 : vector<1x1x16xf32> to vector<16xf32>
        %swap3A_853 = vector.shape_cast %get3A_845 : vector<16xf32> to vector<1x1x16xf32>
        tpu.vector_store %arg7[%swap3A_848, %swap3A_849, %swap3A_850], %swap3A_853 {strides = array<i32>} : memref<9x16x768xf32, #tpu.memory_space<vmem>>, vector<1x1x16xf32>,
        %get3A_854 = arith.constant 6 : i32
        %get3A_855 = arith.index_cast %get3A_854 : i32 to index
        %get3A_856 = arith.index_cast %mul3A_776 : i32 to index
        %get3A_857 = tpu.vector_load %arg8[%get3A_855, %get3A_856] {strides = array<i32>} : memref<10x768xf32, #tpu.memory_space<vmem>>, vector<1x16xf32>,
        %get3A_858 = vector.shape_cast %get3A_857 : vector<1x16xf32> to vector<16xf32>
        %swap3A_859 = arith.constant 0 : i32
        %swap3A_860 = arith.constant 6 : i32
        %swap3A_861 = arith.index_cast %swap3A_859 : i32 to index
        %swap3A_862 = arith.index_cast %swap3A_860 : i32 to index
        %swap3A_863 = arith.index_cast %mul3A_776 : i32 to index
        %swap3A_864 = tpu.vector_load %arg7[%swap3A_861, %swap3A_862, %swap3A_863] {strides = array<i32>} : memref<9x16x768xf32, #tpu.memory_space<vmem>>, vector<1x1x16xf32>,
        %swap3A_865 = vector.shape_cast %swap3A_864 : vector<1x1x16xf32> to vector<16xf32>
        %swap3A_866 = vector.shape_cast %get3A_858 : vector<16xf32> to vector<1x1x16xf32>
        tpu.vector_store %arg7[%swap3A_861, %swap3A_862, %swap3A_863], %swap3A_866 {strides = array<i32>} : memref<9x16x768xf32, #tpu.memory_space<vmem>>, vector<1x1x16xf32>,
        %get3A_867 = arith.constant 7 : i32
        %get3A_868 = arith.index_cast %get3A_867 : i32 to index
        %get3A_869 = arith.index_cast %mul3A_776 : i32 to index
        %get3A_870 = tpu.vector_load %arg8[%get3A_868, %get3A_869] {strides = array<i32>} : memref<10x768xf32, #tpu.memory_space<vmem>>, vector<1x16xf32>,
        %get3A_871 = vector.shape_cast %get3A_870 : vector<1x16xf32> to vector<16xf32>
        %swap3A_872 = arith.constant 0 : i32
        %swap3A_873 = arith.constant 7 : i32
        %swap3A_874 = arith.index_cast %swap3A_872 : i32 to index
        %swap3A_875 = arith.index_cast %swap3A_873 : i32 to index
        %swap3A_876 = arith.index_cast %mul3A_776 : i32 to index
        %swap3A_877 = tpu.vector_load %arg7[%swap3A_874, %swap3A_875, %swap3A_876] {strides = array<i32>} : memref<9x16x768xf32, #tpu.memory_space<vmem>>, vector<1x1x16xf32>,
        %swap3A_878 = vector.shape_cast %swap3A_877 : vector<1x1x16xf32> to vector<16xf32>
        %swap3A_879 = vector.shape_cast %get3A_871 : vector<16xf32> to vector<1x1x16xf32>
        tpu.vector_store %arg7[%swap3A_874, %swap3A_875, %swap3A_876], %swap3A_879 {strides = array<i32>} : memref<9x16x768xf32, #tpu.memory_space<vmem>>, vector<1x1x16xf32>,
        %get3A_880 = arith.constant 8 : i32
        %get3A_881 = arith.index_cast %get3A_880 : i32 to index
        %get3A_882 = arith.index_cast %mul3A_776 : i32 to index
        %get3A_883 = tpu.vector_load %arg8[%get3A_881, %get3A_882] {strides = array<i32>} : memref<10x768xf32, #tpu.memory_space<vmem>>, vector<1x16xf32>,
        %get3A_884 = vector.shape_cast %get3A_883 : vector<1x16xf32> to vector<16xf32>
        %swap3A_885 = arith.constant 0 : i32
        %swap3A_886 = arith.constant 8 : i32
        %swap3A_887 = arith.index_cast %swap3A_885 : i32 to index
        %swap3A_888 = arith.index_cast %swap3A_886 : i32 to index
        %swap3A_889 = arith.index_cast %mul3A_776 : i32 to index
        %swap3A_890 = tpu.vector_load %arg7[%swap3A_887, %swap3A_888, %swap3A_889] {strides = array<i32>} : memref<9x16x768xf32, #tpu.memory_space<vmem>>, vector<1x1x16xf32>,
        %swap3A_891 = vector.shape_cast %swap3A_890 : vector<1x1x16xf32> to vector<16xf32>
        %swap3A_892 = vector.shape_cast %get3A_884 : vector<16xf32> to vector<1x1x16xf32>
        tpu.vector_store %arg7[%swap3A_887, %swap3A_888, %swap3A_889], %swap3A_892 {strides = array<i32>} : memref<9x16x768xf32, #tpu.memory_space<vmem>>, vector<1x1x16xf32>,
        %get3A_893 = arith.constant 9 : i32
        %get3A_894 = arith.index_cast %get3A_893 : i32 to index
        %get3A_895 = arith.index_cast %mul3A_776 : i32 to index
        %get3A_896 = tpu.vector_load %arg8[%get3A_894, %get3A_895] {strides = array<i32>} : memref<10x768xf32, #tpu.memory_space<vmem>>, vector<1x16xf32>,
        %get3A_897 = vector.shape_cast %get3A_896 : vector<1x16xf32> to vector<16xf32>
        %swap3A_898 = arith.constant 0 : i32
        %swap3A_899 = arith.constant 9 : i32
        %swap3A_900 = arith.index_cast %swap3A_898 : i32 to index
        %swap3A_901 = arith.index_cast %swap3A_899 : i32 to index
        %swap3A_902 = arith.index_cast %mul3A_776 : i32 to index
        %swap3A_903 = tpu.vector_load %arg7[%swap3A_900, %swap3A_901, %swap3A_902] {strides = array<i32>} : memref<9x16x768xf32, #tpu.memory_space<vmem>>, vector<1x1x16xf32>,
        %swap3A_904 = vector.shape_cast %swap3A_903 : vector<1x1x16xf32> to vector<16xf32>
        %swap3A_905 = vector.shape_cast %get3A_897 : vector<16xf32> to vector<1x1x16xf32>
        tpu.vector_store %arg7[%swap3A_900, %swap3A_901, %swap3A_902], %swap3A_905 {strides = array<i32>} : memref<9x16x768xf32, #tpu.memory_space<vmem>>, vector<1x1x16xf32>,
        %scan3A_906 = arith.constant 0 : i32
        scf.yield %scan3A_906 : i32
      }
      %scan3A_772 = arith.constant 48 : i32
    } else {
    }
    %add3A_122 = arith.constant 0 : i32
    %add3A_123 = arith.addi %mul3A_2, %add3A_122 : i32
    %dma_start3A_124 = arith.constant 0 : i32
    %dma_start3A_125 = arith.constant 0 : i32
    %dma_start3A_126 = arith.constant 0 : i32
    %dma_start3A_127 = tpu.memref_slice %arg7[%dma_start3A_124, %dma_start3A_125, %dma_start3A_126] : memref<9x16x768xf32, #tpu.memory_space<vmem>> -> memref<1x16x768xf32, #tpu.memory_space<vmem>>
    %dma_start3A_128 = tpu.memref_squeeze %dma_start3A_127 : memref<1x16x768xf32, #tpu.memory_space<vmem>> -> memref<16x768xf32, #tpu.memory_space<vmem>>
    %dma_start3A_129 = arith.constant 0 : i32
    %dma_start3A_130 = tpu.memref_slice %arg5[%add3A_123, %dma_start3A_129] : memref<8192x768xf32, #tpu.memory_space<hbm>> -> memref<16x768xf32, #tpu.memory_space<hbm>>
    %dma_start3A_131 = arith.constant 0 : i32
    %dma_start3A_132 = tpu.memref_slice %arg5[%add3A_123, %dma_start3A_131] : memref<8192x768xf32, #tpu.memory_space<hbm>> -> memref<16x768xf32, #tpu.memory_space<hbm>>
    %dma_start3A_133 = arith.constant 0 : i32
    %dma_start3A_134 = arith.constant 0 : i32
    %dma_start3A_135 = tpu.memref_slice %arg7[%dma_start3A_124, %dma_start3A_133, %dma_start3A_134] : memref<9x16x768xf32, #tpu.memory_space<vmem>> -> memref<1x16x768xf32, #tpu.memory_space<vmem>>
    %dma_start3A_136 = tpu.memref_squeeze %dma_start3A_135 : memref<1x16x768xf32, #tpu.memory_space<vmem>> -> memref<16x768xf32, #tpu.memory_space<vmem>>
    tpu.enqueue_dma source(%dma_start3A_136 : memref<16x768xf32, #tpu.memory_space<vmem>>) target(%dma_start3A_132 : memref<16x768xf32, #tpu.memory_space<hbm>>) target_semaphore(%arg10 : memref<!tpu.dma_semaphore, #tpu.memory_space<semaphore_mem>>)
    %dma_wait3A_137 = arith.constant 0 : i32
    %dma_wait3A_138 = arith.constant 0 : i32
    %dma_wait3A_139 = arith.constant 0 : i32
    %dma_wait3A_140 = tpu.memref_slice %arg7[%dma_wait3A_137, %dma_wait3A_138, %dma_wait3A_139] : memref<9x16x768xf32, #tpu.memory_space<vmem>> -> memref<1x16x768xf32, #tpu.memory_space<vmem>>
    %dma_wait3A_141 = tpu.memref_squeeze %dma_wait3A_140 : memref<1x16x768xf32, #tpu.memory_space<vmem>> -> memref<16x768xf32, #tpu.memory_space<vmem>>
    %dma_wait3A_142 = arith.constant 0 : i32
    %dma_wait3A_143 = tpu.memref_slice %arg5[%add3A_123, %dma_wait3A_142] : memref<8192x768xf32, #tpu.memory_space<hbm>> -> memref<16x768xf32, #tpu.memory_space<hbm>>
    %dma_wait3A_144 = arith.constant 0 : i32
    %dma_wait3A_145 = tpu.memref_slice %arg5[%add3A_123, %dma_wait3A_144] : memref<8192x768xf32, #tpu.memory_space<hbm>> -> memref<16x768xf32, #tpu.memory_space<hbm>>
    %dma_wait3A_146 = arith.constant 0 : i32
    %dma_wait3A_147 = arith.constant 0 : i32
    %dma_wait3A_148 = tpu.memref_slice %arg7[%dma_wait3A_137, %dma_wait3A_146, %dma_wait3A_147] : memref<9x16x768xf32, #tpu.memory_space<vmem>> -> memref<1x16x768xf32, #tpu.memory_space<vmem>>
    %dma_wait3A_149 = tpu.memref_squeeze %dma_wait3A_148 : memref<1x16x768xf32, #tpu.memory_space<vmem>> -> memref<16x768xf32, #tpu.memory_space<vmem>>
    tpu.wait_dma2 semaphore(%arg10 : memref<!tpu.dma_semaphore, #tpu.memory_space<semaphore_mem>>) src(%dma_wait3A_149 : memref<16x768xf32, #tpu.memory_space<vmem>>) dst(%dma_wait3A_145 : memref<16x768xf32, #tpu.memory_space<hbm>>)
    %get3A_150 = arith.constant 144 : index
    %get3A_151 = tpu.vector_load %arg6[%get3A_150] {strides = array<i32>} : memref<256xi32, #tpu.memory_space<vmem>>, vector<16xi32>,
    %get3A_152 = vector.shape_cast %get3A_151 : vector<16xi32> to vector<16xi32>
    %dma_start3A_153 = arith.constant 0 : i32
    %dma_start3A_154 = arith.constant 0 : i32
    %dma_start3A_155 = arith.constant 0 : i32
    %dma_start3A_156 = tpu.memref_slice %arg7[%dma_start3A_153, %dma_start3A_154, %dma_start3A_155] : memref<9x16x768xf32, #tpu.memory_space<vmem>> -> memref<1x16x768xf32, #tpu.memory_space<vmem>>
    %dma_start3A_157 = tpu.memref_squeeze %dma_start3A_156 : memref<1x16x768xf32, #tpu.memory_space<vmem>> -> memref<16x768xf32, #tpu.memory_space<vmem>>
    %dma_start3A_158 = arith.constant 0 : i32
    %dma_start3A_159 = arith.constant 0 : i32
    %dma_start3A_160 = tpu.memref_slice %arg3[%dma_start3A_158, %dma_start3A_159] : memref<100000x768xf32, #tpu.memory_space<hbm>> -> memref<100000x768xf32, #tpu.memory_space<hbm>>
    tpu.enqueue_indirect_dma source(%dma_start3A_160 : memref<100000x768xf32, #tpu.memory_space<hbm>>) target(%dma_start3A_157 : memref<16x768xf32, #tpu.memory_space<vmem>>) offsets(%get3A_152 : vector<16xi32>) semaphore(%arg9 : memref<!tpu.dma_semaphore, #tpu.memory_space<semaphore_mem>>)
    %dma_wait3A_161 = arith.constant 1 : i32
    %dma_wait3A_162 = arith.constant 0 : i32
    %dma_wait3A_163 = arith.constant 0 : i32
    %dma_wait3A_164 = tpu.memref_slice %arg7[%dma_wait3A_161, %dma_wait3A_162, %dma_wait3A_163] : memref<9x16x768xf32, #tpu.memory_space<vmem>> -> memref<1x16x768xf32, #tpu.memory_space<vmem>>
    %dma_wait3A_165 = tpu.memref_squeeze %dma_wait3A_164 : memref<1x16x768xf32, #tpu.memory_space<vmem>> -> memref<16x768xf32, #tpu.memory_space<vmem>>
    %dma_wait3A_166 = arith.constant 0 : i32
    %dma_wait3A_167 = arith.constant 0 : i32
    %dma_wait3A_168 = tpu.memref_slice %arg3[%dma_wait3A_166, %dma_wait3A_167] : memref<100000x768xf32, #tpu.memory_space<hbm>> -> memref<100000x768xf32, #tpu.memory_space<hbm>>
    tpu.wait_indirect_dma semaphore(%arg9 : memref<!tpu.dma_semaphore, #tpu.memory_space<semaphore_mem>>) src(%dma_wait3A_168 : memref<100000x768xf32, #tpu.memory_space<hbm>>) dst(%dma_wait3A_165 : memref<16x768xf32, #tpu.memory_space<vmem>>)
    %add3A_169 = arith.constant 16 : i32
    %add3A_170 = arith.addi %mul3A_2, %add3A_169 : i32
    %dma_start3A_171 = arith.constant 1 : i32
    %dma_start3A_172 = arith.constant 0 : i32
    %dma_start3A_173 = arith.constant 0 : i32
    %dma_start3A_174 = tpu.memref_slice %arg7[%dma_start3A_171, %dma_start3A_172, %dma_start3A_173] : memref<9x16x768xf32, #tpu.memory_space<vmem>> -> memref<1x16x768xf32, #tpu.memory_space<vmem>>
    %dma_start3A_175 = tpu.memref_squeeze %dma_start3A_174 : memref<1x16x768xf32, #tpu.memory_space<vmem>> -> memref<16x768xf32, #tpu.memory_space<vmem>>
    %dma_start3A_176 = arith.constant 0 : i32
    %dma_start3A_177 = tpu.memref_slice %arg5[%add3A_170, %dma_start3A_176] : memref<8192x768xf32, #tpu.memory_space<hbm>> -> memref<16x768xf32, #tpu.memory_space<hbm>>
    %dma_start3A_178 = arith.constant 0 : i32
    %dma_start3A_179 = tpu.memref_slice %arg5[%add3A_170, %dma_start3A_178] : memref<8192x768xf32, #tpu.memory_space<hbm>> -> memref<16x768xf32, #tpu.memory_space<hbm>>
    %dma_start3A_180 = arith.constant 0 : i32
    %dma_start3A_181 = arith.constant 0 : i32
    %dma_start3A_182 = tpu.memref_slice %arg7[%dma_start3A_171, %dma_start3A_180, %dma_start3A_181] : memref<9x16x768xf32, #tpu.memory_space<vmem>> -> memref<1x16x768xf32, #tpu.memory_space<vmem>>
    %dma_start3A_183 = tpu.memref_squeeze %dma_start3A_182 : memref<1x16x768xf32, #tpu.memory_space<vmem>> -> memref<16x768xf32, #tpu.memory_space<vmem>>
    tpu.enqueue_dma source(%dma_start3A_183 : memref<16x768xf32, #tpu.memory_space<vmem>>) target(%dma_start3A_179 : memref<16x768xf32, #tpu.memory_space<hbm>>) target_semaphore(%arg10 : memref<!tpu.dma_semaphore, #tpu.memory_space<semaphore_mem>>)
    %dma_wait3A_184 = arith.constant 1 : i32
    %dma_wait3A_185 = arith.constant 0 : i32
    %dma_wait3A_186 = arith.constant 0 : i32
    %dma_wait3A_187 = tpu.memref_slice %arg7[%dma_wait3A_184, %dma_wait3A_185, %dma_wait3A_186] : memref<9x16x768xf32, #tpu.memory_space<vmem>> -> memref<1x16x768xf32, #tpu.memory_space<vmem>>
    %dma_wait3A_188 = tpu.memref_squeeze %dma_wait3A_187 : memref<1x16x768xf32, #tpu.memory_space<vmem>> -> memref<16x768xf32, #tpu.memory_space<vmem>>
    %dma_wait3A_189 = arith.constant 0 : i32
    %dma_wait3A_190 = tpu.memref_slice %arg5[%add3A_170, %dma_wait3A_189] : memref<8192x768xf32, #tpu.memory_space<hbm>> -> memref<16x768xf32, #tpu.memory_space<hbm>>
    %dma_wait3A_191 = arith.constant 0 : i32
    %dma_wait3A_192 = tpu.memref_slice %arg5[%add3A_170, %dma_wait3A_191] : memref<8192x768xf32, #tpu.memory_space<hbm>> -> memref<16x768xf32, #tpu.memory_space<hbm>>
    %dma_wait3A_193 = arith.constant 0 : i32
    %dma_wait3A_194 = arith.constant 0 : i32
    %dma_wait3A_195 = tpu.memref_slice %arg7[%dma_wait3A_184, %dma_wait3A_193, %dma_wait3A_194] : memref<9x16x768xf32, #tpu.memory_space<vmem>> -> memref<1x16x768xf32, #tpu.memory_space<vmem>>
    %dma_wait3A_196 = tpu.memref_squeeze %dma_wait3A_195 : memref<1x16x768xf32, #tpu.memory_space<vmem>> -> memref<16x768xf32, #tpu.memory_space<vmem>>
    tpu.wait_dma2 semaphore(%arg10 : memref<!tpu.dma_semaphore, #tpu.memory_space<semaphore_mem>>) src(%dma_wait3A_196 : memref<16x768xf32, #tpu.memory_space<vmem>>) dst(%dma_wait3A_192 : memref<16x768xf32, #tpu.memory_space<hbm>>)
    %get3A_197 = arith.constant 160 : index
    %get3A_198 = tpu.vector_load %arg6[%get3A_197] {strides = array<i32>} : memref<256xi32, #tpu.memory_space<vmem>>, vector<16xi32>,
    %get3A_199 = vector.shape_cast %get3A_198 : vector<16xi32> to vector<16xi32>
    %dma_start3A_200 = arith.constant 1 : i32
    %dma_start3A_201 = arith.constant 0 : i32
    %dma_start3A_202 = arith.constant 0 : i32
    %dma_start3A_203 = tpu.memref_slice %arg7[%dma_start3A_200, %dma_start3A_201, %dma_start3A_202] : memref<9x16x768xf32, #tpu.memory_space<vmem>> -> memref<1x16x768xf32, #tpu.memory_space<vmem>>
    %dma_start3A_204 = tpu.memref_squeeze %dma_start3A_203 : memref<1x16x768xf32, #tpu.memory_space<vmem>> -> memref<16x768xf32, #tpu.memory_space<vmem>>
    %dma_start3A_205 = arith.constant 0 : i32
    %dma_start3A_206 = arith.constant 0 : i32
    %dma_start3A_207 = tpu.memref_slice %arg3[%dma_start3A_205, %dma_start3A_206] : memref<100000x768xf32, #tpu.memory_space<hbm>> -> memref<100000x768xf32, #tpu.memory_space<hbm>>
    tpu.enqueue_indirect_dma source(%dma_start3A_207 : memref<100000x768xf32, #tpu.memory_space<hbm>>) target(%dma_start3A_204 : memref<16x768xf32, #tpu.memory_space<vmem>>) offsets(%get3A_199 : vector<16xi32>) semaphore(%arg9 : memref<!tpu.dma_semaphore, #tpu.memory_space<semaphore_mem>>)
    %dma_wait3A_208 = arith.constant 2 : i32
    %dma_wait3A_209 = arith.constant 0 : i32
    %dma_wait3A_210 = arith.constant 0 : i32
    %dma_wait3A_211 = tpu.memref_slice %arg7[%dma_wait3A_208, %dma_wait3A_209, %dma_wait3A_210] : memref<9x16x768xf32, #tpu.memory_space<vmem>> -> memref<1x16x768xf32, #tpu.memory_space<vmem>>
    %dma_wait3A_212 = tpu.memref_squeeze %dma_wait3A_211 : memref<1x16x768xf32, #tpu.memory_space<vmem>> -> memref<16x768xf32, #tpu.memory_space<vmem>>
    %dma_wait3A_213 = arith.constant 0 : i32
    %dma_wait3A_214 = arith.constant 0 : i32
    %dma_wait3A_215 = tpu.memref_slice %arg3[%dma_wait3A_213, %dma_wait3A_214] : memref<100000x768xf32, #tpu.memory_space<hbm>> -> memref<100000x768xf32, #tpu.memory_space<hbm>>
    tpu.wait_indirect_dma semaphore(%arg9 : memref<!tpu.dma_semaphore, #tpu.memory_space<semaphore_mem>>) src(%dma_wait3A_215 : memref<100000x768xf32, #tpu.memory_space<hbm>>) dst(%dma_wait3A_212 : memref<16x768xf32, #tpu.memory_space<vmem>>)
    %add3A_216 = arith.constant 32 : i32
    %add3A_217 = arith.addi %mul3A_2, %add3A_216 : i32
    %dma_start3A_218 = arith.constant 2 : i32
    %dma_start3A_219 = arith.constant 0 : i32
    %dma_start3A_220 = arith.constant 0 : i32
    %dma_start3A_221 = tpu.memref_slice %arg7[%dma_start3A_218, %dma_start3A_219, %dma_start3A_220] : memref<9x16x768xf32, #tpu.memory_space<vmem>> -> memref<1x16x768xf32, #tpu.memory_space<vmem>>
    %dma_start3A_222 = tpu.memref_squeeze %dma_start3A_221 : memref<1x16x768xf32, #tpu.memory_space<vmem>> -> memref<16x768xf32, #tpu.memory_space<vmem>>
    %dma_start3A_223 = arith.constant 0 : i32
    %dma_start3A_224 = tpu.memref_slice %arg5[%add3A_217, %dma_start3A_223] : memref<8192x768xf32, #tpu.memory_space<hbm>> -> memref<16x768xf32, #tpu.memory_space<hbm>>
    %dma_start3A_225 = arith.constant 0 : i32
    %dma_start3A_226 = tpu.memref_slice %arg5[%add3A_217, %dma_start3A_225] : memref<8192x768xf32, #tpu.memory_space<hbm>> -> memref<16x768xf32, #tpu.memory_space<hbm>>
    %dma_start3A_227 = arith.constant 0 : i32
    %dma_start3A_228 = arith.constant 0 : i32
    %dma_start3A_229 = tpu.memref_slice %arg7[%dma_start3A_218, %dma_start3A_227, %dma_start3A_228] : memref<9x16x768xf32, #tpu.memory_space<vmem>> -> memref<1x16x768xf32, #tpu.memory_space<vmem>>
    %dma_start3A_230 = tpu.memref_squeeze %dma_start3A_229 : memref<1x16x768xf32, #tpu.memory_space<vmem>> -> memref<16x768xf32, #tpu.memory_space<vmem>>
    tpu.enqueue_dma source(%dma_start3A_230 : memref<16x768xf32, #tpu.memory_space<vmem>>) target(%dma_start3A_226 : memref<16x768xf32, #tpu.memory_space<hbm>>) target_semaphore(%arg10 : memref<!tpu.dma_semaphore, #tpu.memory_space<semaphore_mem>>)
    %dma_wait3A_231 = arith.constant 2 : i32
    %dma_wait3A_232 = arith.constant 0 : i32
    %dma_wait3A_233 = arith.constant 0 : i32
    %dma_wait3A_234 = tpu.memref_slice %arg7[%dma_wait3A_231, %dma_wait3A_232, %dma_wait3A_233] : memref<9x16x768xf32, #tpu.memory_space<vmem>> -> memref<1x16x768xf32, #tpu.memory_space<vmem>>
    %dma_wait3A_235 = tpu.memref_squeeze %dma_wait3A_234 : memref<1x16x768xf32, #tpu.memory_space<vmem>> -> memref<16x768xf32, #tpu.memory_space<vmem>>
    %dma_wait3A_236 = arith.constant 0 : i32
    %dma_wait3A_237 = tpu.memref_slice %arg5[%add3A_217, %dma_wait3A_236] : memref<8192x768xf32, #tpu.memory_space<hbm>> -> memref<16x768xf32, #tpu.memory_space<hbm>>
    %dma_wait3A_238 = arith.constant 0 : i32
    %dma_wait3A_239 = tpu.memref_slice %arg5[%add3A_217, %dma_wait3A_238] : memref<8192x768xf32, #tpu.memory_space<hbm>> -> memref<16x768xf32, #tpu.memory_space<hbm>>
    %dma_wait3A_240 = arith.constant 0 : i32
    %dma_wait3A_241 = arith.constant 0 : i32
    %dma_wait3A_242 = tpu.memref_slice %arg7[%dma_wait3A_231, %dma_wait3A_240, %dma_wait3A_241] : memref<9x16x768xf32, #tpu.memory_space<vmem>> -> memref<1x16x768xf32, #tpu.memory_space<vmem>>
    %dma_wait3A_243 = tpu.memref_squeeze %dma_wait3A_242 : memref<1x16x768xf32, #tpu.memory_space<vmem>> -> memref<16x768xf32, #tpu.memory_space<vmem>>
    tpu.wait_dma2 semaphore(%arg10 : memref<!tpu.dma_semaphore, #tpu.memory_space<semaphore_mem>>) src(%dma_wait3A_243 : memref<16x768xf32, #tpu.memory_space<vmem>>) dst(%dma_wait3A_239 : memref<16x768xf32, #tpu.memory_space<hbm>>)
    %get3A_244 = arith.constant 176 : index
    %get3A_245 = tpu.vector_load %arg6[%get3A_244] {strides = array<i32>} : memref<256xi32, #tpu.memory_space<vmem>>, vector<16xi32>,
    %get3A_246 = vector.shape_cast %get3A_245 : vector<16xi32> to vector<16xi32>
    %dma_start3A_247 = arith.constant 2 : i32
    %dma_start3A_248 = arith.constant 0 : i32
    %dma_start3A_249 = arith.constant 0 : i32
    %dma_start3A_250 = tpu.memref_slice %arg7[%dma_start3A_247, %dma_start3A_248, %dma_start3A_249] : memref<9x16x768xf32, #tpu.memory_space<vmem>> -> memref<1x16x768xf32, #tpu.memory_space<vmem>>
    %dma_start3A_251 = tpu.memref_squeeze %dma_start3A_250 : memref<1x16x768xf32, #tpu.memory_space<vmem>> -> memref<16x768xf32, #tpu.memory_space<vmem>>
    %dma_start3A_252 = arith.constant 0 : i32
    %dma_start3A_253 = arith.constant 0 : i32
    %dma_start3A_254 = tpu.memref_slice %arg3[%dma_start3A_252, %dma_start3A_253] : memref<100000x768xf32, #tpu.memory_space<hbm>> -> memref<100000x768xf32, #tpu.memory_space<hbm>>
    tpu.enqueue_indirect_dma source(%dma_start3A_254 : memref<100000x768xf32, #tpu.memory_space<hbm>>) target(%dma_start3A_251 : memref<16x768xf32, #tpu.memory_space<vmem>>) offsets(%get3A_246 : vector<16xi32>) semaphore(%arg9 : memref<!tpu.dma_semaphore, #tpu.memory_space<semaphore_mem>>)
    %dma_wait3A_255 = arith.constant 3 : i32
    %dma_wait3A_256 = arith.constant 0 : i32
    %dma_wait3A_257 = arith.constant 0 : i32
    %dma_wait3A_258 = tpu.memref_slice %arg7[%dma_wait3A_255, %dma_wait3A_256, %dma_wait3A_257] : memref<9x16x768xf32, #tpu.memory_space<vmem>> -> memref<1x16x768xf32, #tpu.memory_space<vmem>>
    %dma_wait3A_259 = tpu.memref_squeeze %dma_wait3A_258 : memref<1x16x768xf32, #tpu.memory_space<vmem>> -> memref<16x768xf32, #tpu.memory_space<vmem>>
    %dma_wait3A_260 = arith.constant 0 : i32
    %dma_wait3A_261 = arith.constant 0 : i32
    %dma_wait3A_262 = tpu.memref_slice %arg3[%dma_wait3A_260, %dma_wait3A_261] : memref<100000x768xf32, #tpu.memory_space<hbm>> -> memref<100000x768xf32, #tpu.memory_space<hbm>>
    tpu.wait_indirect_dma semaphore(%arg9 : memref<!tpu.dma_semaphore, #tpu.memory_space<semaphore_mem>>) src(%dma_wait3A_262 : memref<100000x768xf32, #tpu.memory_space<hbm>>) dst(%dma_wait3A_259 : memref<16x768xf32, #tpu.memory_space<vmem>>)
    %add3A_263 = arith.constant 48 : i32
    %add3A_264 = arith.addi %mul3A_2, %add3A_263 : i32
    %dma_start3A_265 = arith.constant 3 : i32
    %dma_start3A_266 = arith.constant 0 : i32
    %dma_start3A_267 = arith.constant 0 : i32
    %dma_start3A_268 = tpu.memref_slice %arg7[%dma_start3A_265, %dma_start3A_266, %dma_start3A_267] : memref<9x16x768xf32, #tpu.memory_space<vmem>> -> memref<1x16x768xf32, #tpu.memory_space<vmem>>
    %dma_start3A_269 = tpu.memref_squeeze %dma_start3A_268 : memref<1x16x768xf32, #tpu.memory_space<vmem>> -> memref<16x768xf32, #tpu.memory_space<vmem>>
    %dma_start3A_270 = arith.constant 0 : i32
    %dma_start3A_271 = tpu.memref_slice %arg5[%add3A_264, %dma_start3A_270] : memref<8192x768xf32, #tpu.memory_space<hbm>> -> memref<16x768xf32, #tpu.memory_space<hbm>>
    %dma_start3A_272 = arith.constant 0 : i32
    %dma_start3A_273 = tpu.memref_slice %arg5[%add3A_264, %dma_start3A_272] : memref<8192x768xf32, #tpu.memory_space<hbm>> -> memref<16x768xf32, #tpu.memory_space<hbm>>
    %dma_start3A_274 = arith.constant 0 : i32
    %dma_start3A_275 = arith.constant 0 : i32
    %dma_start3A_276 = tpu.memref_slice %arg7[%dma_start3A_265, %dma_start3A_274, %dma_start3A_275] : memref<9x16x768xf32, #tpu.memory_space<vmem>> -> memref<1x16x768xf32, #tpu.memory_space<vmem>>
    %dma_start3A_277 = tpu.memref_squeeze %dma_start3A_276 : memref<1x16x768xf32, #tpu.memory_space<vmem>> -> memref<16x768xf32, #tpu.memory_space<vmem>>
    tpu.enqueue_dma source(%dma_start3A_277 : memref<16x768xf32, #tpu.memory_space<vmem>>) target(%dma_start3A_273 : memref<16x768xf32, #tpu.memory_space<hbm>>) target_semaphore(%arg10 : memref<!tpu.dma_semaphore, #tpu.memory_space<semaphore_mem>>)
    %dma_wait3A_278 = arith.constant 3 : i32
    %dma_wait3A_279 = arith.constant 0 : i32
    %dma_wait3A_280 = arith.constant 0 : i32
    %dma_wait3A_281 = tpu.memref_slice %arg7[%dma_wait3A_278, %dma_wait3A_279, %dma_wait3A_280] : memref<9x16x768xf32, #tpu.memory_space<vmem>> -> memref<1x16x768xf32, #tpu.memory_space<vmem>>
    %dma_wait3A_282 = tpu.memref_squeeze %dma_wait3A_281 : memref<1x16x768xf32, #tpu.memory_space<vmem>> -> memref<16x768xf32, #tpu.memory_space<vmem>>
    %dma_wait3A_283 = arith.constant 0 : i32
    %dma_wait3A_284 = tpu.memref_slice %arg5[%add3A_264, %dma_wait3A_283] : memref<8192x768xf32, #tpu.memory_space<hbm>> -> memref<16x768xf32, #tpu.memory_space<hbm>>
    %dma_wait3A_285 = arith.constant 0 : i32
    %dma_wait3A_286 = tpu.memref_slice %arg5[%add3A_264, %dma_wait3A_285] : memref<8192x768xf32, #tpu.memory_space<hbm>> -> memref<16x768xf32, #tpu.memory_space<hbm>>
    %dma_wait3A_287 = arith.constant 0 : i32
    %dma_wait3A_288 = arith.constant 0 : i32
    %dma_wait3A_289 = tpu.memref_slice %arg7[%dma_wait3A_278, %dma_wait3A_287, %dma_wait3A_288] : memref<9x16x768xf32, #tpu.memory_space<vmem>> -> memref<1x16x768xf32, #tpu.memory_space<vmem>>
    %dma_wait3A_290 = tpu.memref_squeeze %dma_wait3A_289 : memref<1x16x768xf32, #tpu.memory_space<vmem>> -> memref<16x768xf32, #tpu.memory_space<vmem>>
    tpu.wait_dma2 semaphore(%arg10 : memref<!tpu.dma_semaphore, #tpu.memory_space<semaphore_mem>>) src(%dma_wait3A_290 : memref<16x768xf32, #tpu.memory_space<vmem>>) dst(%dma_wait3A_286 : memref<16x768xf32, #tpu.memory_space<hbm>>)
    %get3A_291 = arith.constant 192 : index
    %get3A_292 = tpu.vector_load %arg6[%get3A_291] {strides = array<i32>} : memref<256xi32, #tpu.memory_space<vmem>>, vector<16xi32>,
    %get3A_293 = vector.shape_cast %get3A_292 : vector<16xi32> to vector<16xi32>
    %dma_start3A_294 = arith.constant 3 : i32
    %dma_start3A_295 = arith.constant 0 : i32
    %dma_start3A_296 = arith.constant 0 : i32
    %dma_start3A_297 = tpu.memref_slice %arg7[%dma_start3A_294, %dma_start3A_295, %dma_start3A_296] : memref<9x16x768xf32, #tpu.memory_space<vmem>> -> memref<1x16x768xf32, #tpu.memory_space<vmem>>
    %dma_start3A_298 = tpu.memref_squeeze %dma_start3A_297 : memref<1x16x768xf32, #tpu.memory_space<vmem>> -> memref<16x768xf32, #tpu.memory_space<vmem>>
    %dma_start3A_299 = arith.constant 0 : i32
    %dma_start3A_300 = arith.constant 0 : i32
    %dma_start3A_301 = tpu.memref_slice %arg3[%dma_start3A_299, %dma_start3A_300] : memref<100000x768xf32, #tpu.memory_space<hbm>> -> memref<100000x768xf32, #tpu.memory_space<hbm>>
    tpu.enqueue_indirect_dma source(%dma_start3A_301 : memref<100000x768xf32, #tpu.memory_space<hbm>>) target(%dma_start3A_298 : memref<16x768xf32, #tpu.memory_space<vmem>>) offsets(%get3A_293 : vector<16xi32>) semaphore(%arg9 : memref<!tpu.dma_semaphore, #tpu.memory_space<semaphore_mem>>)
    %dma_wait3A_302 = arith.constant 4 : i32
    %dma_wait3A_303 = arith.constant 0 : i32
    %dma_wait3A_304 = arith.constant 0 : i32
    %dma_wait3A_305 = tpu.memref_slice %arg7[%dma_wait3A_302, %dma_wait3A_303, %dma_wait3A_304] : memref<9x16x768xf32, #tpu.memory_space<vmem>> -> memref<1x16x768xf32, #tpu.memory_space<vmem>>
    %dma_wait3A_306 = tpu.memref_squeeze %dma_wait3A_305 : memref<1x16x768xf32, #tpu.memory_space<vmem>> -> memref<16x768xf32, #tpu.memory_space<vmem>>
    %dma_wait3A_307 = arith.constant 0 : i32
    %dma_wait3A_308 = arith.constant 0 : i32
    %dma_wait3A_309 = tpu.memref_slice %arg3[%dma_wait3A_307, %dma_wait3A_308] : memref<100000x768xf32, #tpu.memory_space<hbm>> -> memref<100000x768xf32, #tpu.memory_space<hbm>>
    tpu.wait_indirect_dma semaphore(%arg9 : memref<!tpu.dma_semaphore, #tpu.memory_space<semaphore_mem>>) src(%dma_wait3A_309 : memref<100000x768xf32, #tpu.memory_space<hbm>>) dst(%dma_wait3A_306 : memref<16x768xf32, #tpu.memory_space<vmem>>)
    %add3A_310 = arith.constant 64 : i32
    %add3A_311 = arith.addi %mul3A_2, %add3A_310 : i32
    %dma_start3A_312 = arith.constant 4 : i32
    %dma_start3A_313 = arith.constant 0 : i32
    %dma_start3A_314 = arith.constant 0 : i32
    %dma_start3A_315 = tpu.memref_slice %arg7[%dma_start3A_312, %dma_start3A_313, %dma_start3A_314] : memref<9x16x768xf32, #tpu.memory_space<vmem>> -> memref<1x16x768xf32, #tpu.memory_space<vmem>>
    %dma_start3A_316 = tpu.memref_squeeze %dma_start3A_315 : memref<1x16x768xf32, #tpu.memory_space<vmem>> -> memref<16x768xf32, #tpu.memory_space<vmem>>
    %dma_start3A_317 = arith.constant 0 : i32
    %dma_start3A_318 = tpu.memref_slice %arg5[%add3A_311, %dma_start3A_317] : memref<8192x768xf32, #tpu.memory_space<hbm>> -> memref<16x768xf32, #tpu.memory_space<hbm>>
    %dma_start3A_319 = arith.constant 0 : i32
    %dma_start3A_320 = tpu.memref_slice %arg5[%add3A_311, %dma_start3A_319] : memref<8192x768xf32, #tpu.memory_space<hbm>> -> memref<16x768xf32, #tpu.memory_space<hbm>>
    %dma_start3A_321 = arith.constant 0 : i32
    %dma_start3A_322 = arith.constant 0 : i32
    %dma_start3A_323 = tpu.memref_slice %arg7[%dma_start3A_312, %dma_start3A_321, %dma_start3A_322] : memref<9x16x768xf32, #tpu.memory_space<vmem>> -> memref<1x16x768xf32, #tpu.memory_space<vmem>>
    %dma_start3A_324 = tpu.memref_squeeze %dma_start3A_323 : memref<1x16x768xf32, #tpu.memory_space<vmem>> -> memref<16x768xf32, #tpu.memory_space<vmem>>
    tpu.enqueue_dma source(%dma_start3A_324 : memref<16x768xf32, #tpu.memory_space<vmem>>) target(%dma_start3A_320 : memref<16x768xf32, #tpu.memory_space<hbm>>) target_semaphore(%arg10 : memref<!tpu.dma_semaphore, #tpu.memory_space<semaphore_mem>>)
    %dma_wait3A_325 = arith.constant 4 : i32
    %dma_wait3A_326 = arith.constant 0 : i32
    %dma_wait3A_327 = arith.constant 0 : i32
    %dma_wait3A_328 = tpu.memref_slice %arg7[%dma_wait3A_325, %dma_wait3A_326, %dma_wait3A_327] : memref<9x16x768xf32, #tpu.memory_space<vmem>> -> memref<1x16x768xf32, #tpu.memory_space<vmem>>
    %dma_wait3A_329 = tpu.memref_squeeze %dma_wait3A_328 : memref<1x16x768xf32, #tpu.memory_space<vmem>> -> memref<16x768xf32, #tpu.memory_space<vmem>>
    %dma_wait3A_330 = arith.constant 0 : i32
    %dma_wait3A_331 = tpu.memref_slice %arg5[%add3A_311, %dma_wait3A_330] : memref<8192x768xf32, #tpu.memory_space<hbm>> -> memref<16x768xf32, #tpu.memory_space<hbm>>
    %dma_wait3A_332 = arith.constant 0 : i32
    %dma_wait3A_333 = tpu.memref_slice %arg5[%add3A_311, %dma_wait3A_332] : memref<8192x768xf32, #tpu.memory_space<hbm>> -> memref<16x768xf32, #tpu.memory_space<hbm>>
    %dma_wait3A_334 = arith.constant 0 : i32
    %dma_wait3A_335 = arith.constant 0 : i32
    %dma_wait3A_336 = tpu.memref_slice %arg7[%dma_wait3A_325, %dma_wait3A_334, %dma_wait3A_335] : memref<9x16x768xf32, #tpu.memory_space<vmem>> -> memref<1x16x768xf32, #tpu.memory_space<vmem>>
    %dma_wait3A_337 = tpu.memref_squeeze %dma_wait3A_336 : memref<1x16x768xf32, #tpu.memory_space<vmem>> -> memref<16x768xf32, #tpu.memory_space<vmem>>
    tpu.wait_dma2 semaphore(%arg10 : memref<!tpu.dma_semaphore, #tpu.memory_space<semaphore_mem>>) src(%dma_wait3A_337 : memref<16x768xf32, #tpu.memory_space<vmem>>) dst(%dma_wait3A_333 : memref<16x768xf32, #tpu.memory_space<hbm>>)
    %get3A_338 = arith.constant 208 : index
    %get3A_339 = tpu.vector_load %arg6[%get3A_338] {strides = array<i32>} : memref<256xi32, #tpu.memory_space<vmem>>, vector<16xi32>,
    %get3A_340 = vector.shape_cast %get3A_339 : vector<16xi32> to vector<16xi32>
    %dma_start3A_341 = arith.constant 4 : i32
    %dma_start3A_342 = arith.constant 0 : i32
    %dma_start3A_343 = arith.constant 0 : i32
    %dma_start3A_344 = tpu.memref_slice %arg7[%dma_start3A_341, %dma_start3A_342, %dma_start3A_343] : memref<9x16x768xf32, #tpu.memory_space<vmem>> -> memref<1x16x768xf32, #tpu.memory_space<vmem>>
    %dma_start3A_345 = tpu.memref_squeeze %dma_start3A_344 : memref<1x16x768xf32, #tpu.memory_space<vmem>> -> memref<16x768xf32, #tpu.memory_space<vmem>>
    %dma_start3A_346 = arith.constant 0 : i32
    %dma_start3A_347 = arith.constant 0 : i32
    %dma_start3A_348 = tpu.memref_slice %arg3[%dma_start3A_346, %dma_start3A_347] : memref<100000x768xf32, #tpu.memory_space<hbm>> -> memref<100000x768xf32, #tpu.memory_space<hbm>>
    tpu.enqueue_indirect_dma source(%dma_start3A_348 : memref<100000x768xf32, #tpu.memory_space<hbm>>) target(%dma_start3A_345 : memref<16x768xf32, #tpu.memory_space<vmem>>) offsets(%get3A_340 : vector<16xi32>) semaphore(%arg9 : memref<!tpu.dma_semaphore, #tpu.memory_space<semaphore_mem>>)
    %dma_wait3A_349 = arith.constant 5 : i32
    %dma_wait3A_350 = arith.constant 0 : i32
    %dma_wait3A_351 = arith.constant 0 : i32
    %dma_wait3A_352 = tpu.memref_slice %arg7[%dma_wait3A_349, %dma_wait3A_350, %dma_wait3A_351] : memref<9x16x768xf32, #tpu.memory_space<vmem>> -> memref<1x16x768xf32, #tpu.memory_space<vmem>>
    %dma_wait3A_353 = tpu.memref_squeeze %dma_wait3A_352 : memref<1x16x768xf32, #tpu.memory_space<vmem>> -> memref<16x768xf32, #tpu.memory_space<vmem>>
    %dma_wait3A_354 = arith.constant 0 : i32
    %dma_wait3A_355 = arith.constant 0 : i32
    %dma_wait3A_356 = tpu.memref_slice %arg3[%dma_wait3A_354, %dma_wait3A_355] : memref<100000x768xf32, #tpu.memory_space<hbm>> -> memref<100000x768xf32, #tpu.memory_space<hbm>>
    tpu.wait_indirect_dma semaphore(%arg9 : memref<!tpu.dma_semaphore, #tpu.memory_space<semaphore_mem>>) src(%dma_wait3A_356 : memref<100000x768xf32, #tpu.memory_space<hbm>>) dst(%dma_wait3A_353 : memref<16x768xf32, #tpu.memory_space<vmem>>)
    %add3A_357 = arith.constant 80 : i32
    %add3A_358 = arith.addi %mul3A_2, %add3A_357 : i32
    %dma_start3A_359 = arith.constant 5 : i32
    %dma_start3A_360 = arith.constant 0 : i32
    %dma_start3A_361 = arith.constant 0 : i32
    %dma_start3A_362 = tpu.memref_slice %arg7[%dma_start3A_359, %dma_start3A_360, %dma_start3A_361] : memref<9x16x768xf32, #tpu.memory_space<vmem>> -> memref<1x16x768xf32, #tpu.memory_space<vmem>>
    %dma_start3A_363 = tpu.memref_squeeze %dma_start3A_362 : memref<1x16x768xf32, #tpu.memory_space<vmem>> -> memref<16x768xf32, #tpu.memory_space<vmem>>
    %dma_start3A_364 = arith.constant 0 : i32
    %dma_start3A_365 = tpu.memref_slice %arg5[%add3A_358, %dma_start3A_364] : memref<8192x768xf32, #tpu.memory_space<hbm>> -> memref<16x768xf32, #tpu.memory_space<hbm>>
    %dma_start3A_366 = arith.constant 0 : i32
    %dma_start3A_367 = tpu.memref_slice %arg5[%add3A_358, %dma_start3A_366] : memref<8192x768xf32, #tpu.memory_space<hbm>> -> memref<16x768xf32, #tpu.memory_space<hbm>>
    %dma_start3A_368 = arith.constant 0 : i32
    %dma_start3A_369 = arith.constant 0 : i32
    %dma_start3A_370 = tpu.memref_slice %arg7[%dma_start3A_359, %dma_start3A_368, %dma_start3A_369] : memref<9x16x768xf32, #tpu.memory_space<vmem>> -> memref<1x16x768xf32, #tpu.memory_space<vmem>>
    %dma_start3A_371 = tpu.memref_squeeze %dma_start3A_370 : memref<1x16x768xf32, #tpu.memory_space<vmem>> -> memref<16x768xf32, #tpu.memory_space<vmem>>
    tpu.enqueue_dma source(%dma_start3A_371 : memref<16x768xf32, #tpu.memory_space<vmem>>) target(%dma_start3A_367 : memref<16x768xf32, #tpu.memory_space<hbm>>) target_semaphore(%arg10 : memref<!tpu.dma_semaphore, #tpu.memory_space<semaphore_mem>>)
    %dma_wait3A_372 = arith.constant 5 : i32
    %dma_wait3A_373 = arith.constant 0 : i32
    %dma_wait3A_374 = arith.constant 0 : i32
    %dma_wait3A_375 = tpu.memref_slice %arg7[%dma_wait3A_372, %dma_wait3A_373, %dma_wait3A_374] : memref<9x16x768xf32, #tpu.memory_space<vmem>> -> memref<1x16x768xf32, #tpu.memory_space<vmem>>
    %dma_wait3A_376 = tpu.memref_squeeze %dma_wait3A_375 : memref<1x16x768xf32, #tpu.memory_space<vmem>> -> memref<16x768xf32, #tpu.memory_space<vmem>>
    %dma_wait3A_377 = arith.constant 0 : i32
    %dma_wait3A_378 = tpu.memref_slice %arg5[%add3A_358, %dma_wait3A_377] : memref<8192x768xf32, #tpu.memory_space<hbm>> -> memref<16x768xf32, #tpu.memory_space<hbm>>
    %dma_wait3A_379 = arith.constant 0 : i32
    %dma_wait3A_380 = tpu.memref_slice %arg5[%add3A_358, %dma_wait3A_379] : memref<8192x768xf32, #tpu.memory_space<hbm>> -> memref<16x768xf32, #tpu.memory_space<hbm>>
    %dma_wait3A_381 = arith.constant 0 : i32
    %dma_wait3A_382 = arith.constant 0 : i32
    %dma_wait3A_383 = tpu.memref_slice %arg7[%dma_wait3A_372, %dma_wait3A_381, %dma_wait3A_382] : memref<9x16x768xf32, #tpu.memory_space<vmem>> -> memref<1x16x768xf32, #tpu.memory_space<vmem>>
    %dma_wait3A_384 = tpu.memref_squeeze %dma_wait3A_383 : memref<1x16x768xf32, #tpu.memory_space<vmem>> -> memref<16x768xf32, #tpu.memory_space<vmem>>
    tpu.wait_dma2 semaphore(%arg10 : memref<!tpu.dma_semaphore, #tpu.memory_space<semaphore_mem>>) src(%dma_wait3A_384 : memref<16x768xf32, #tpu.memory_space<vmem>>) dst(%dma_wait3A_380 : memref<16x768xf32, #tpu.memory_space<hbm>>)
    %get3A_385 = arith.constant 224 : index
    %get3A_386 = tpu.vector_load %arg6[%get3A_385] {strides = array<i32>} : memref<256xi32, #tpu.memory_space<vmem>>, vector<16xi32>,
    %get3A_387 = vector.shape_cast %get3A_386 : vector<16xi32> to vector<16xi32>
    %dma_start3A_388 = arith.constant 5 : i32
    %dma_start3A_389 = arith.constant 0 : i32
    %dma_start3A_390 = arith.constant 0 : i32
    %dma_start3A_391 = tpu.memref_slice %arg7[%dma_start3A_388, %dma_start3A_389, %dma_start3A_390] : memref<9x16x768xf32, #tpu.memory_space<vmem>> -> memref<1x16x768xf32, #tpu.memory_space<vmem>>
    %dma_start3A_392 = tpu.memref_squeeze %dma_start3A_391 : memref<1x16x768xf32, #tpu.memory_space<vmem>> -> memref<16x768xf32, #tpu.memory_space<vmem>>
    %dma_start3A_393 = arith.constant 0 : i32
    %dma_start3A_394 = arith.constant 0 : i32
    %dma_start3A_395 = tpu.memref_slice %arg3[%dma_start3A_393, %dma_start3A_394] : memref<100000x768xf32, #tpu.memory_space<hbm>> -> memref<100000x768xf32, #tpu.memory_space<hbm>>
    tpu.enqueue_indirect_dma source(%dma_start3A_395 : memref<100000x768xf32, #tpu.memory_space<hbm>>) target(%dma_start3A_392 : memref<16x768xf32, #tpu.memory_space<vmem>>) offsets(%get3A_387 : vector<16xi32>) semaphore(%arg9 : memref<!tpu.dma_semaphore, #tpu.memory_space<semaphore_mem>>)
    %dma_wait3A_396 = arith.constant 6 : i32
    %dma_wait3A_397 = arith.constant 0 : i32
    %dma_wait3A_398 = arith.constant 0 : i32
    %dma_wait3A_399 = tpu.memref_slice %arg7[%dma_wait3A_396, %dma_wait3A_397, %dma_wait3A_398] : memref<9x16x768xf32, #tpu.memory_space<vmem>> -> memref<1x16x768xf32, #tpu.memory_space<vmem>>
    %dma_wait3A_400 = tpu.memref_squeeze %dma_wait3A_399 : memref<1x16x768xf32, #tpu.memory_space<vmem>> -> memref<16x768xf32, #tpu.memory_space<vmem>>
    %dma_wait3A_401 = arith.constant 0 : i32
    %dma_wait3A_402 = arith.constant 0 : i32
    %dma_wait3A_403 = tpu.memref_slice %arg3[%dma_wait3A_401, %dma_wait3A_402] : memref<100000x768xf32, #tpu.memory_space<hbm>> -> memref<100000x768xf32, #tpu.memory_space<hbm>>
    tpu.wait_indirect_dma semaphore(%arg9 : memref<!tpu.dma_semaphore, #tpu.memory_space<semaphore_mem>>) src(%dma_wait3A_403 : memref<100000x768xf32, #tpu.memory_space<hbm>>) dst(%dma_wait3A_400 : memref<16x768xf32, #tpu.memory_space<vmem>>)
    %add3A_404 = arith.constant 96 : i32
    %add3A_405 = arith.addi %mul3A_2, %add3A_404 : i32
    %dma_start3A_406 = arith.constant 6 : i32
    %dma_start3A_407 = arith.constant 0 : i32
    %dma_start3A_408 = arith.constant 0 : i32
    %dma_start3A_409 = tpu.memref_slice %arg7[%dma_start3A_406, %dma_start3A_407, %dma_start3A_408] : memref<9x16x768xf32, #tpu.memory_space<vmem>> -> memref<1x16x768xf32, #tpu.memory_space<vmem>>
    %dma_start3A_410 = tpu.memref_squeeze %dma_start3A_409 : memref<1x16x768xf32, #tpu.memory_space<vmem>> -> memref<16x768xf32, #tpu.memory_space<vmem>>
    %dma_start3A_411 = arith.constant 0 : i32
    %dma_start3A_412 = tpu.memref_slice %arg5[%add3A_405, %dma_start3A_411] : memref<8192x768xf32, #tpu.memory_space<hbm>> -> memref<16x768xf32, #tpu.memory_space<hbm>>
    %dma_start3A_413 = arith.constant 0 : i32
    %dma_start3A_414 = tpu.memref_slice %arg5[%add3A_405, %dma_start3A_413] : memref<8192x768xf32, #tpu.memory_space<hbm>> -> memref<16x768xf32, #tpu.memory_space<hbm>>
    %dma_start3A_415 = arith.constant 0 : i32
    %dma_start3A_416 = arith.constant 0 : i32
    %dma_start3A_417 = tpu.memref_slice %arg7[%dma_start3A_406, %dma_start3A_415, %dma_start3A_416] : memref<9x16x768xf32, #tpu.memory_space<vmem>> -> memref<1x16x768xf32, #tpu.memory_space<vmem>>
    %dma_start3A_418 = tpu.memref_squeeze %dma_start3A_417 : memref<1x16x768xf32, #tpu.memory_space<vmem>> -> memref<16x768xf32, #tpu.memory_space<vmem>>
    tpu.enqueue_dma source(%dma_start3A_418 : memref<16x768xf32, #tpu.memory_space<vmem>>) target(%dma_start3A_414 : memref<16x768xf32, #tpu.memory_space<hbm>>) target_semaphore(%arg10 : memref<!tpu.dma_semaphore, #tpu.memory_space<semaphore_mem>>)
    %dma_wait3A_419 = arith.constant 6 : i32
    %dma_wait3A_420 = arith.constant 0 : i32
    %dma_wait3A_421 = arith.constant 0 : i32
    %dma_wait3A_422 = tpu.memref_slice %arg7[%dma_wait3A_419, %dma_wait3A_420, %dma_wait3A_421] : memref<9x16x768xf32, #tpu.memory_space<vmem>> -> memref<1x16x768xf32, #tpu.memory_space<vmem>>
    %dma_wait3A_423 = tpu.memref_squeeze %dma_wait3A_422 : memref<1x16x768xf32, #tpu.memory_space<vmem>> -> memref<16x768xf32, #tpu.memory_space<vmem>>
    %dma_wait3A_424 = arith.constant 0 : i32
    %dma_wait3A_425 = tpu.memref_slice %arg5[%add3A_405, %dma_wait3A_424] : memref<8192x768xf32, #tpu.memory_space<hbm>> -> memref<16x768xf32, #tpu.memory_space<hbm>>
    %dma_wait3A_426 = arith.constant 0 : i32
    %dma_wait3A_427 = tpu.memref_slice %arg5[%add3A_405, %dma_wait3A_426] : memref<8192x768xf32, #tpu.memory_space<hbm>> -> memref<16x768xf32, #tpu.memory_space<hbm>>
    %dma_wait3A_428 = arith.constant 0 : i32
    %dma_wait3A_429 = arith.constant 0 : i32
    %dma_wait3A_430 = tpu.memref_slice %arg7[%dma_wait3A_419, %dma_wait3A_428, %dma_wait3A_429] : memref<9x16x768xf32, #tpu.memory_space<vmem>> -> memref<1x16x768xf32, #tpu.memory_space<vmem>>
    %dma_wait3A_431 = tpu.memref_squeeze %dma_wait3A_430 : memref<1x16x768xf32, #tpu.memory_space<vmem>> -> memref<16x768xf32, #tpu.memory_space<vmem>>
    tpu.wait_dma2 semaphore(%arg10 : memref<!tpu.dma_semaphore, #tpu.memory_space<semaphore_mem>>) src(%dma_wait3A_431 : memref<16x768xf32, #tpu.memory_space<vmem>>) dst(%dma_wait3A_427 : memref<16x768xf32, #tpu.memory_space<hbm>>)
    %get3A_432 = arith.constant 240 : index
    %get3A_433 = tpu.vector_load %arg6[%get3A_432] {strides = array<i32>} : memref<256xi32, #tpu.memory_space<vmem>>, vector<16xi32>,
    %get3A_434 = vector.shape_cast %get3A_433 : vector<16xi32> to vector<16xi32>
    %dma_start3A_435 = arith.constant 6 : i32
    %dma_start3A_436 = arith.constant 0 : i32
    %dma_start3A_437 = arith.constant 0 : i32
    %dma_start3A_438 = tpu.memref_slice %arg7[%dma_start3A_435, %dma_start3A_436, %dma_start3A_437] : memref<9x16x768xf32, #tpu.memory_space<vmem>> -> memref<1x16x768xf32, #tpu.memory_space<vmem>>
    %dma_start3A_439 = tpu.memref_squeeze %dma_start3A_438 : memref<1x16x768xf32, #tpu.memory_space<vmem>> -> memref<16x768xf32, #tpu.memory_space<vmem>>
    %dma_start3A_440 = arith.constant 0 : i32
    %dma_start3A_441 = arith.constant 0 : i32
    %dma_start3A_442 = tpu.memref_slice %arg3[%dma_start3A_440, %dma_start3A_441] : memref<100000x768xf32, #tpu.memory_space<hbm>> -> memref<100000x768xf32, #tpu.memory_space<hbm>>
    tpu.enqueue_indirect_dma source(%dma_start3A_442 : memref<100000x768xf32, #tpu.memory_space<hbm>>) target(%dma_start3A_439 : memref<16x768xf32, #tpu.memory_space<vmem>>) offsets(%get3A_434 : vector<16xi32>) semaphore(%arg9 : memref<!tpu.dma_semaphore, #tpu.memory_space<semaphore_mem>>)
    %dma_wait3A_443 = arith.constant 7 : i32
    %dma_wait3A_444 = arith.constant 0 : i32
    %dma_wait3A_445 = arith.constant 0 : i32
    %dma_wait3A_446 = tpu.memref_slice %arg7[%dma_wait3A_443, %dma_wait3A_444, %dma_wait3A_445] : memref<9x16x768xf32, #tpu.memory_space<vmem>> -> memref<1x16x768xf32, #tpu.memory_space<vmem>>
    %dma_wait3A_447 = tpu.memref_squeeze %dma_wait3A_446 : memref<1x16x768xf32, #tpu.memory_space<vmem>> -> memref<16x768xf32, #tpu.memory_space<vmem>>
    %dma_wait3A_448 = arith.constant 0 : i32
    %dma_wait3A_449 = arith.constant 0 : i32
    %dma_wait3A_450 = tpu.memref_slice %arg3[%dma_wait3A_448, %dma_wait3A_449] : memref<100000x768xf32, #tpu.memory_space<hbm>> -> memref<100000x768xf32, #tpu.memory_space<hbm>>
    tpu.wait_indirect_dma semaphore(%arg9 : memref<!tpu.dma_semaphore, #tpu.memory_space<semaphore_mem>>) src(%dma_wait3A_450 : memref<100000x768xf32, #tpu.memory_space<hbm>>) dst(%dma_wait3A_447 : memref<16x768xf32, #tpu.memory_space<vmem>>)
    %add3A_451 = arith.constant 112 : i32
    %add3A_452 = arith.addi %mul3A_2, %add3A_451 : i32
    %dma_start3A_453 = arith.constant 7 : i32
    %dma_start3A_454 = arith.constant 0 : i32
    %dma_start3A_455 = arith.constant 0 : i32
    %dma_start3A_456 = tpu.memref_slice %arg7[%dma_start3A_453, %dma_start3A_454, %dma_start3A_455] : memref<9x16x768xf32, #tpu.memory_space<vmem>> -> memref<1x16x768xf32, #tpu.memory_space<vmem>>
    %dma_start3A_457 = tpu.memref_squeeze %dma_start3A_456 : memref<1x16x768xf32, #tpu.memory_space<vmem>> -> memref<16x768xf32, #tpu.memory_space<vmem>>
    %dma_start3A_458 = arith.constant 0 : i32
    %dma_start3A_459 = tpu.memref_slice %arg5[%add3A_452, %dma_start3A_458] : memref<8192x768xf32, #tpu.memory_space<hbm>> -> memref<16x768xf32, #tpu.memory_space<hbm>>
    %dma_start3A_460 = arith.constant 0 : i32
    %dma_start3A_461 = tpu.memref_slice %arg5[%add3A_452, %dma_start3A_460] : memref<8192x768xf32, #tpu.memory_space<hbm>> -> memref<16x768xf32, #tpu.memory_space<hbm>>
    %dma_start3A_462 = arith.constant 0 : i32
    %dma_start3A_463 = arith.constant 0 : i32
    %dma_start3A_464 = tpu.memref_slice %arg7[%dma_start3A_453, %dma_start3A_462, %dma_start3A_463] : memref<9x16x768xf32, #tpu.memory_space<vmem>> -> memref<1x16x768xf32, #tpu.memory_space<vmem>>
    %dma_start3A_465 = tpu.memref_squeeze %dma_start3A_464 : memref<1x16x768xf32, #tpu.memory_space<vmem>> -> memref<16x768xf32, #tpu.memory_space<vmem>>
    tpu.enqueue_dma source(%dma_start3A_465 : memref<16x768xf32, #tpu.memory_space<vmem>>) target(%dma_start3A_461 : memref<16x768xf32, #tpu.memory_space<hbm>>) target_semaphore(%arg10 : memref<!tpu.dma_semaphore, #tpu.memory_space<semaphore_mem>>)
    %dma_wait3A_466 = arith.constant 8 : i32
    %dma_wait3A_467 = arith.constant 0 : i32
    %dma_wait3A_468 = arith.constant 0 : i32
    %dma_wait3A_469 = tpu.memref_slice %arg7[%dma_wait3A_466, %dma_wait3A_467, %dma_wait3A_468] : memref<9x16x768xf32, #tpu.memory_space<vmem>> -> memref<1x16x768xf32, #tpu.memory_space<vmem>>
    %dma_wait3A_470 = tpu.memref_squeeze %dma_wait3A_469 : memref<1x16x768xf32, #tpu.memory_space<vmem>> -> memref<16x768xf32, #tpu.memory_space<vmem>>
    %dma_wait3A_471 = arith.constant 0 : i32
    %dma_wait3A_472 = arith.constant 0 : i32
    %dma_wait3A_473 = tpu.memref_slice %arg3[%dma_wait3A_471, %dma_wait3A_472] : memref<100000x768xf32, #tpu.memory_space<hbm>> -> memref<100000x768xf32, #tpu.memory_space<hbm>>
    tpu.wait_indirect_dma semaphore(%arg9 : memref<!tpu.dma_semaphore, #tpu.memory_space<semaphore_mem>>) src(%dma_wait3A_473 : memref<100000x768xf32, #tpu.memory_space<hbm>>) dst(%dma_wait3A_470 : memref<16x768xf32, #tpu.memory_space<vmem>>)
    %add3A_474 = arith.constant 128 : i32
    %add3A_475 = arith.addi %mul3A_2, %add3A_474 : i32
    %dma_start3A_476 = arith.constant 8 : i32
    %dma_start3A_477 = arith.constant 0 : i32
    %dma_start3A_478 = arith.constant 0 : i32
    %dma_start3A_479 = tpu.memref_slice %arg7[%dma_start3A_476, %dma_start3A_477, %dma_start3A_478] : memref<9x16x768xf32, #tpu.memory_space<vmem>> -> memref<1x16x768xf32, #tpu.memory_space<vmem>>
    %dma_start3A_480 = tpu.memref_squeeze %dma_start3A_479 : memref<1x16x768xf32, #tpu.memory_space<vmem>> -> memref<16x768xf32, #tpu.memory_space<vmem>>
    %dma_start3A_481 = arith.constant 0 : i32
    %dma_start3A_482 = tpu.memref_slice %arg5[%add3A_475, %dma_start3A_481] : memref<8192x768xf32, #tpu.memory_space<hbm>> -> memref<16x768xf32, #tpu.memory_space<hbm>>
    %dma_start3A_483 = arith.constant 0 : i32
    %dma_start3A_484 = tpu.memref_slice %arg5[%add3A_475, %dma_start3A_483] : memref<8192x768xf32, #tpu.memory_space<hbm>> -> memref<16x768xf32, #tpu.memory_space<hbm>>
    %dma_start3A_485 = arith.constant 0 : i32
    %dma_start3A_486 = arith.constant 0 : i32
    %dma_start3A_487 = tpu.memref_slice %arg7[%dma_start3A_476, %dma_start3A_485, %dma_start3A_486] : memref<9x16x768xf32, #tpu.memory_space<vmem>> -> memref<1x16x768xf32, #tpu.memory_space<vmem>>
    %dma_start3A_488 = tpu.memref_squeeze %dma_start3A_487 : memref<1x16x768xf32, #tpu.memory_space<vmem>> -> memref<16x768xf32, #tpu.memory_space<vmem>>
    tpu.enqueue_dma source(%dma_start3A_488 : memref<16x768xf32, #tpu.memory_space<vmem>>) target(%dma_start3A_484 : memref<16x768xf32, #tpu.memory_space<hbm>>) target_semaphore(%arg10 : memref<!tpu.dma_semaphore, #tpu.memory_space<semaphore_mem>>)
    %dma_wait3A_489 = arith.constant 0 : i32
    %dma_wait3A_490 = arith.constant 0 : i32
    %dma_wait3A_491 = arith.constant 0 : i32
    %dma_wait3A_492 = tpu.memref_slice %arg7[%dma_wait3A_489, %dma_wait3A_490, %dma_wait3A_491] : memref<9x16x768xf32, #tpu.memory_space<vmem>> -> memref<1x16x768xf32, #tpu.memory_space<vmem>>
    %dma_wait3A_493 = tpu.memref_squeeze %dma_wait3A_492 : memref<1x16x768xf32, #tpu.memory_space<vmem>> -> memref<16x768xf32, #tpu.memory_space<vmem>>
    %dma_wait3A_494 = arith.constant 0 : i32
    %dma_wait3A_495 = arith.constant 0 : i32
    %dma_wait3A_496 = tpu.memref_slice %arg3[%dma_wait3A_494, %dma_wait3A_495] : memref<100000x768xf32, #tpu.memory_space<hbm>> -> memref<100000x768xf32, #tpu.memory_space<hbm>>
    tpu.wait_indirect_dma semaphore(%arg9 : memref<!tpu.dma_semaphore, #tpu.memory_space<semaphore_mem>>) src(%dma_wait3A_496 : memref<100000x768xf32, #tpu.memory_space<hbm>>) dst(%dma_wait3A_493 : memref<16x768xf32, #tpu.memory_space<vmem>>)
    %add3A_497 = arith.constant 144 : i32
    %add3A_498 = arith.addi %mul3A_2, %add3A_497 : i32
    %dma_start3A_499 = arith.constant 0 : i32
    %dma_start3A_500 = arith.constant 0 : i32
    %dma_start3A_501 = arith.constant 0 : i32
    %dma_start3A_502 = tpu.memref_slice %arg7[%dma_start3A_499, %dma_start3A_500, %dma_start3A_501] : memref<9x16x768xf32, #tpu.memory_space<vmem>> -> memref<1x16x768xf32, #tpu.memory_space<vmem>>
    %dma_start3A_503 = tpu.memref_squeeze %dma_start3A_502 : memref<1x16x768xf32, #tpu.memory_space<vmem>> -> memref<16x768xf32, #tpu.memory_space<vmem>>
    %dma_start3A_504 = arith.constant 0 : i32
    %dma_start3A_505 = tpu.memref_slice %arg5[%add3A_498, %dma_start3A_504] : memref<8192x768xf32, #tpu.memory_space<hbm>> -> memref<16x768xf32, #tpu.memory_space<hbm>>
    %dma_start3A_506 = arith.constant 0 : i32
    %dma_start3A_507 = tpu.memref_slice %arg5[%add3A_498, %dma_start3A_506] : memref<8192x768xf32, #tpu.memory_space<hbm>> -> memref<16x768xf32, #tpu.memory_space<hbm>>
    %dma_start3A_508 = arith.constant 0 : i32
    %dma_start3A_509 = arith.constant 0 : i32
    %dma_start3A_510 = tpu.memref_slice %arg7[%dma_start3A_499, %dma_start3A_508, %dma_start3A_509] : memref<9x16x768xf32, #tpu.memory_space<vmem>> -> memref<1x16x768xf32, #tpu.memory_space<vmem>>
    %dma_start3A_511 = tpu.memref_squeeze %dma_start3A_510 : memref<1x16x768xf32, #tpu.memory_space<vmem>> -> memref<16x768xf32, #tpu.memory_space<vmem>>
    tpu.enqueue_dma source(%dma_start3A_511 : memref<16x768xf32, #tpu.memory_space<vmem>>) target(%dma_start3A_507 : memref<16x768xf32, #tpu.memory_space<hbm>>) target_semaphore(%arg10 : memref<!tpu.dma_semaphore, #tpu.memory_space<semaphore_mem>>)
    %dma_wait3A_512 = arith.constant 1 : i32
    %dma_wait3A_513 = arith.constant 0 : i32
    %dma_wait3A_514 = arith.constant 0 : i32
    %dma_wait3A_515 = tpu.memref_slice %arg7[%dma_wait3A_512, %dma_wait3A_513, %dma_wait3A_514] : memref<9x16x768xf32, #tpu.memory_space<vmem>> -> memref<1x16x768xf32, #tpu.memory_space<vmem>>
    %dma_wait3A_516 = tpu.memref_squeeze %dma_wait3A_515 : memref<1x16x768xf32, #tpu.memory_space<vmem>> -> memref<16x768xf32, #tpu.memory_space<vmem>>
    %dma_wait3A_517 = arith.constant 0 : i32
    %dma_wait3A_518 = arith.constant 0 : i32
    %dma_wait3A_519 = tpu.memref_slice %arg3[%dma_wait3A_517, %dma_wait3A_518] : memref<100000x768xf32, #tpu.memory_space<hbm>> -> memref<100000x768xf32, #tpu.memory_space<hbm>>
    tpu.wait_indirect_dma semaphore(%arg9 : memref<!tpu.dma_semaphore, #tpu.memory_space<semaphore_mem>>) src(%dma_wait3A_519 : memref<100000x768xf32, #tpu.memory_space<hbm>>) dst(%dma_wait3A_516 : memref<16x768xf32, #tpu.memory_space<vmem>>)
    %add3A_520 = arith.constant 160 : i32
    %add3A_521 = arith.addi %mul3A_2, %add3A_520 : i32
    %dma_start3A_522 = arith.constant 1 : i32
    %dma_start3A_523 = arith.constant 0 : i32
    %dma_start3A_524 = arith.constant 0 : i32
    %dma_start3A_525 = tpu.memref_slice %arg7[%dma_start3A_522, %dma_start3A_523, %dma_start3A_524] : memref<9x16x768xf32, #tpu.memory_space<vmem>> -> memref<1x16x768xf32, #tpu.memory_space<vmem>>
    %dma_start3A_526 = tpu.memref_squeeze %dma_start3A_525 : memref<1x16x768xf32, #tpu.memory_space<vmem>> -> memref<16x768xf32, #tpu.memory_space<vmem>>
    %dma_start3A_527 = arith.constant 0 : i32
    %dma_start3A_528 = tpu.memref_slice %arg5[%add3A_521, %dma_start3A_527] : memref<8192x768xf32, #tpu.memory_space<hbm>> -> memref<16x768xf32, #tpu.memory_space<hbm>>
    %dma_start3A_529 = arith.constant 0 : i32
    %dma_start3A_530 = tpu.memref_slice %arg5[%add3A_521, %dma_start3A_529] : memref<8192x768xf32, #tpu.memory_space<hbm>> -> memref<16x768xf32, #tpu.memory_space<hbm>>
    %dma_start3A_531 = arith.constant 0 : i32
    %dma_start3A_532 = arith.constant 0 : i32
    %dma_start3A_533 = tpu.memref_slice %arg7[%dma_start3A_522, %dma_start3A_531, %dma_start3A_532] : memref<9x16x768xf32, #tpu.memory_space<vmem>> -> memref<1x16x768xf32, #tpu.memory_space<vmem>>
    %dma_start3A_534 = tpu.memref_squeeze %dma_start3A_533 : memref<1x16x768xf32, #tpu.memory_space<vmem>> -> memref<16x768xf32, #tpu.memory_space<vmem>>
    tpu.enqueue_dma source(%dma_start3A_534 : memref<16x768xf32, #tpu.memory_space<vmem>>) target(%dma_start3A_530 : memref<16x768xf32, #tpu.memory_space<hbm>>) target_semaphore(%arg10 : memref<!tpu.dma_semaphore, #tpu.memory_space<semaphore_mem>>)
    %dma_wait3A_535 = arith.constant 2 : i32
    %dma_wait3A_536 = arith.constant 0 : i32
    %dma_wait3A_537 = arith.constant 0 : i32
    %dma_wait3A_538 = tpu.memref_slice %arg7[%dma_wait3A_535, %dma_wait3A_536, %dma_wait3A_537] : memref<9x16x768xf32, #tpu.memory_space<vmem>> -> memref<1x16x768xf32, #tpu.memory_space<vmem>>
    %dma_wait3A_539 = tpu.memref_squeeze %dma_wait3A_538 : memref<1x16x768xf32, #tpu.memory_space<vmem>> -> memref<16x768xf32, #tpu.memory_space<vmem>>
    %dma_wait3A_540 = arith.constant 0 : i32
    %dma_wait3A_541 = arith.constant 0 : i32
    %dma_wait3A_542 = tpu.memref_slice %arg3[%dma_wait3A_540, %dma_wait3A_541] : memref<100000x768xf32, #tpu.memory_space<hbm>> -> memref<100000x768xf32, #tpu.memory_space<hbm>>
    tpu.wait_indirect_dma semaphore(%arg9 : memref<!tpu.dma_semaphore, #tpu.memory_space<semaphore_mem>>) src(%dma_wait3A_542 : memref<100000x768xf32, #tpu.memory_space<hbm>>) dst(%dma_wait3A_539 : memref<16x768xf32, #tpu.memory_space<vmem>>)
    %add3A_543 = arith.constant 176 : i32
    %add3A_544 = arith.addi %mul3A_2, %add3A_543 : i32
    %dma_start3A_545 = arith.constant 2 : i32
    %dma_start3A_546 = arith.constant 0 : i32
    %dma_start3A_547 = arith.constant 0 : i32
    %dma_start3A_548 = tpu.memref_slice %arg7[%dma_start3A_545, %dma_start3A_546, %dma_start3A_547] : memref<9x16x768xf32, #tpu.memory_space<vmem>> -> memref<1x16x768xf32, #tpu.memory_space<vmem>>
    %dma_start3A_549 = tpu.memref_squeeze %dma_start3A_548 : memref<1x16x768xf32, #tpu.memory_space<vmem>> -> memref<16x768xf32, #tpu.memory_space<vmem>>
    %dma_start3A_550 = arith.constant 0 : i32
    %dma_start3A_551 = tpu.memref_slice %arg5[%add3A_544, %dma_start3A_550] : memref<8192x768xf32, #tpu.memory_space<hbm>> -> memref<16x768xf32, #tpu.memory_space<hbm>>
    %dma_start3A_552 = arith.constant 0 : i32
    %dma_start3A_553 = tpu.memref_slice %arg5[%add3A_544, %dma_start3A_552] : memref<8192x768xf32, #tpu.memory_space<hbm>> -> memref<16x768xf32, #tpu.memory_space<hbm>>
    %dma_start3A_554 = arith.constant 0 : i32
    %dma_start3A_555 = arith.constant 0 : i32
    %dma_start3A_556 = tpu.memref_slice %arg7[%dma_start3A_545, %dma_start3A_554, %dma_start3A_555] : memref<9x16x768xf32, #tpu.memory_space<vmem>> -> memref<1x16x768xf32, #tpu.memory_space<vmem>>
    %dma_start3A_557 = tpu.memref_squeeze %dma_start3A_556 : memref<1x16x768xf32, #tpu.memory_space<vmem>> -> memref<16x768xf32, #tpu.memory_space<vmem>>
    tpu.enqueue_dma source(%dma_start3A_557 : memref<16x768xf32, #tpu.memory_space<vmem>>) target(%dma_start3A_553 : memref<16x768xf32, #tpu.memory_space<hbm>>) target_semaphore(%arg10 : memref<!tpu.dma_semaphore, #tpu.memory_space<semaphore_mem>>)
    %dma_wait3A_558 = arith.constant 3 : i32
    %dma_wait3A_559 = arith.constant 0 : i32
    %dma_wait3A_560 = arith.constant 0 : i32
    %dma_wait3A_561 = tpu.memref_slice %arg7[%dma_wait3A_558, %dma_wait3A_559, %dma_wait3A_560] : memref<9x16x768xf32, #tpu.memory_space<vmem>> -> memref<1x16x768xf32, #tpu.memory_space<vmem>>
    %dma_wait3A_562 = tpu.memref_squeeze %dma_wait3A_561 : memref<1x16x768xf32, #tpu.memory_space<vmem>> -> memref<16x768xf32, #tpu.memory_space<vmem>>
    %dma_wait3A_563 = arith.constant 0 : i32
    %dma_wait3A_564 = arith.constant 0 : i32
    %dma_wait3A_565 = tpu.memref_slice %arg3[%dma_wait3A_563, %dma_wait3A_564] : memref<100000x768xf32, #tpu.memory_space<hbm>> -> memref<100000x768xf32, #tpu.memory_space<hbm>>
    tpu.wait_indirect_dma semaphore(%arg9 : memref<!tpu.dma_semaphore, #tpu.memory_space<semaphore_mem>>) src(%dma_wait3A_565 : memref<100000x768xf32, #tpu.memory_space<hbm>>) dst(%dma_wait3A_562 : memref<16x768xf32, #tpu.memory_space<vmem>>)
    %add3A_566 = arith.constant 192 : i32
    %add3A_567 = arith.addi %mul3A_2, %add3A_566 : i32
    %dma_start3A_568 = arith.constant 3 : i32
    %dma_start3A_569 = arith.constant 0 : i32
    %dma_start3A_570 = arith.constant 0 : i32
    %dma_start3A_571 = tpu.memref_slice %arg7[%dma_start3A_568, %dma_start3A_569, %dma_start3A_570] : memref<9x16x768xf32, #tpu.memory_space<vmem>> -> memref<1x16x768xf32, #tpu.memory_space<vmem>>
    %dma_start3A_572 = tpu.memref_squeeze %dma_start3A_571 : memref<1x16x768xf32, #tpu.memory_space<vmem>> -> memref<16x768xf32, #tpu.memory_space<vmem>>
    %dma_start3A_573 = arith.constant 0 : i32
    %dma_start3A_574 = tpu.memref_slice %arg5[%add3A_567, %dma_start3A_573] : memref<8192x768xf32, #tpu.memory_space<hbm>> -> memref<16x768xf32, #tpu.memory_space<hbm>>
    %dma_start3A_575 = arith.constant 0 : i32
    %dma_start3A_576 = tpu.memref_slice %arg5[%add3A_567, %dma_start3A_575] : memref<8192x768xf32, #tpu.memory_space<hbm>> -> memref<16x768xf32, #tpu.memory_space<hbm>>
    %dma_start3A_577 = arith.constant 0 : i32
    %dma_start3A_578 = arith.constant 0 : i32
    %dma_start3A_579 = tpu.memref_slice %arg7[%dma_start3A_568, %dma_start3A_577, %dma_start3A_578] : memref<9x16x768xf32, #tpu.memory_space<vmem>> -> memref<1x16x768xf32, #tpu.memory_space<vmem>>
    %dma_start3A_580 = tpu.memref_squeeze %dma_start3A_579 : memref<1x16x768xf32, #tpu.memory_space<vmem>> -> memref<16x768xf32, #tpu.memory_space<vmem>>
    tpu.enqueue_dma source(%dma_start3A_580 : memref<16x768xf32, #tpu.memory_space<vmem>>) target(%dma_start3A_576 : memref<16x768xf32, #tpu.memory_space<hbm>>) target_semaphore(%arg10 : memref<!tpu.dma_semaphore, #tpu.memory_space<semaphore_mem>>)
    %dma_wait3A_581 = arith.constant 4 : i32
    %dma_wait3A_582 = arith.constant 0 : i32
    %dma_wait3A_583 = arith.constant 0 : i32
    %dma_wait3A_584 = tpu.memref_slice %arg7[%dma_wait3A_581, %dma_wait3A_582, %dma_wait3A_583] : memref<9x16x768xf32, #tpu.memory_space<vmem>> -> memref<1x16x768xf32, #tpu.memory_space<vmem>>
    %dma_wait3A_585 = tpu.memref_squeeze %dma_wait3A_584 : memref<1x16x768xf32, #tpu.memory_space<vmem>> -> memref<16x768xf32, #tpu.memory_space<vmem>>
    %dma_wait3A_586 = arith.constant 0 : i32
    %dma_wait3A_587 = arith.constant 0 : i32
    %dma_wait3A_588 = tpu.memref_slice %arg3[%dma_wait3A_586, %dma_wait3A_587] : memref<100000x768xf32, #tpu.memory_space<hbm>> -> memref<100000x768xf32, #tpu.memory_space<hbm>>
    tpu.wait_indirect_dma semaphore(%arg9 : memref<!tpu.dma_semaphore, #tpu.memory_space<semaphore_mem>>) src(%dma_wait3A_588 : memref<100000x768xf32, #tpu.memory_space<hbm>>) dst(%dma_wait3A_585 : memref<16x768xf32, #tpu.memory_space<vmem>>)
    %add3A_589 = arith.constant 208 : i32
    %add3A_590 = arith.addi %mul3A_2, %add3A_589 : i32
    %dma_start3A_591 = arith.constant 4 : i32
    %dma_start3A_592 = arith.constant 0 : i32
    %dma_start3A_593 = arith.constant 0 : i32
    %dma_start3A_594 = tpu.memref_slice %arg7[%dma_start3A_591, %dma_start3A_592, %dma_start3A_593] : memref<9x16x768xf32, #tpu.memory_space<vmem>> -> memref<1x16x768xf32, #tpu.memory_space<vmem>>
    %dma_start3A_595 = tpu.memref_squeeze %dma_start3A_594 : memref<1x16x768xf32, #tpu.memory_space<vmem>> -> memref<16x768xf32, #tpu.memory_space<vmem>>
    %dma_start3A_596 = arith.constant 0 : i32
    %dma_start3A_597 = tpu.memref_slice %arg5[%add3A_590, %dma_start3A_596] : memref<8192x768xf32, #tpu.memory_space<hbm>> -> memref<16x768xf32, #tpu.memory_space<hbm>>
    %dma_start3A_598 = arith.constant 0 : i32
    %dma_start3A_599 = tpu.memref_slice %arg5[%add3A_590, %dma_start3A_598] : memref<8192x768xf32, #tpu.memory_space<hbm>> -> memref<16x768xf32, #tpu.memory_space<hbm>>
    %dma_start3A_600 = arith.constant 0 : i32
    %dma_start3A_601 = arith.constant 0 : i32
    %dma_start3A_602 = tpu.memref_slice %arg7[%dma_start3A_591, %dma_start3A_600, %dma_start3A_601] : memref<9x16x768xf32, #tpu.memory_space<vmem>> -> memref<1x16x768xf32, #tpu.memory_space<vmem>>
    %dma_start3A_603 = tpu.memref_squeeze %dma_start3A_602 : memref<1x16x768xf32, #tpu.memory_space<vmem>> -> memref<16x768xf32, #tpu.memory_space<vmem>>
    tpu.enqueue_dma source(%dma_start3A_603 : memref<16x768xf32, #tpu.memory_space<vmem>>) target(%dma_start3A_599 : memref<16x768xf32, #tpu.memory_space<hbm>>) target_semaphore(%arg10 : memref<!tpu.dma_semaphore, #tpu.memory_space<semaphore_mem>>)
    %dma_wait3A_604 = arith.constant 5 : i32
    %dma_wait3A_605 = arith.constant 0 : i32
    %dma_wait3A_606 = arith.constant 0 : i32
    %dma_wait3A_607 = tpu.memref_slice %arg7[%dma_wait3A_604, %dma_wait3A_605, %dma_wait3A_606] : memref<9x16x768xf32, #tpu.memory_space<vmem>> -> memref<1x16x768xf32, #tpu.memory_space<vmem>>
    %dma_wait3A_608 = tpu.memref_squeeze %dma_wait3A_607 : memref<1x16x768xf32, #tpu.memory_space<vmem>> -> memref<16x768xf32, #tpu.memory_space<vmem>>
    %dma_wait3A_609 = arith.constant 0 : i32
    %dma_wait3A_610 = arith.constant 0 : i32
    %dma_wait3A_611 = tpu.memref_slice %arg3[%dma_wait3A_609, %dma_wait3A_610] : memref<100000x768xf32, #tpu.memory_space<hbm>> -> memref<100000x768xf32, #tpu.memory_space<hbm>>
    tpu.wait_indirect_dma semaphore(%arg9 : memref<!tpu.dma_semaphore, #tpu.memory_space<semaphore_mem>>) src(%dma_wait3A_611 : memref<100000x768xf32, #tpu.memory_space<hbm>>) dst(%dma_wait3A_608 : memref<16x768xf32, #tpu.memory_space<vmem>>)
    %add3A_612 = arith.constant 224 : i32
    %add3A_613 = arith.addi %mul3A_2, %add3A_612 : i32
    %dma_start3A_614 = arith.constant 5 : i32
    %dma_start3A_615 = arith.constant 0 : i32
    %dma_start3A_616 = arith.constant 0 : i32
    %dma_start3A_617 = tpu.memref_slice %arg7[%dma_start3A_614, %dma_start3A_615, %dma_start3A_616] : memref<9x16x768xf32, #tpu.memory_space<vmem>> -> memref<1x16x768xf32, #tpu.memory_space<vmem>>
    %dma_start3A_618 = tpu.memref_squeeze %dma_start3A_617 : memref<1x16x768xf32, #tpu.memory_space<vmem>> -> memref<16x768xf32, #tpu.memory_space<vmem>>
    %dma_start3A_619 = arith.constant 0 : i32
    %dma_start3A_620 = tpu.memref_slice %arg5[%add3A_613, %dma_start3A_619] : memref<8192x768xf32, #tpu.memory_space<hbm>> -> memref<16x768xf32, #tpu.memory_space<hbm>>
    %dma_start3A_621 = arith.constant 0 : i32
    %dma_start3A_622 = tpu.memref_slice %arg5[%add3A_613, %dma_start3A_621] : memref<8192x768xf32, #tpu.memory_space<hbm>> -> memref<16x768xf32, #tpu.memory_space<hbm>>
    %dma_start3A_623 = arith.constant 0 : i32
    %dma_start3A_624 = arith.constant 0 : i32
    %dma_start3A_625 = tpu.memref_slice %arg7[%dma_start3A_614, %dma_start3A_623, %dma_start3A_624] : memref<9x16x768xf32, #tpu.memory_space<vmem>> -> memref<1x16x768xf32, #tpu.memory_space<vmem>>
    %dma_start3A_626 = tpu.memref_squeeze %dma_start3A_625 : memref<1x16x768xf32, #tpu.memory_space<vmem>> -> memref<16x768xf32, #tpu.memory_space<vmem>>
    tpu.enqueue_dma source(%dma_start3A_626 : memref<16x768xf32, #tpu.memory_space<vmem>>) target(%dma_start3A_622 : memref<16x768xf32, #tpu.memory_space<hbm>>) target_semaphore(%arg10 : memref<!tpu.dma_semaphore, #tpu.memory_space<semaphore_mem>>)
    %dma_wait3A_627 = arith.constant 6 : i32
    %dma_wait3A_628 = arith.constant 0 : i32
    %dma_wait3A_629 = arith.constant 0 : i32
    %dma_wait3A_630 = tpu.memref_slice %arg7[%dma_wait3A_627, %dma_wait3A_628, %dma_wait3A_629] : memref<9x16x768xf32, #tpu.memory_space<vmem>> -> memref<1x16x768xf32, #tpu.memory_space<vmem>>
    %dma_wait3A_631 = tpu.memref_squeeze %dma_wait3A_630 : memref<1x16x768xf32, #tpu.memory_space<vmem>> -> memref<16x768xf32, #tpu.memory_space<vmem>>
    %dma_wait3A_632 = arith.constant 0 : i32
    %dma_wait3A_633 = arith.constant 0 : i32
    %dma_wait3A_634 = tpu.memref_slice %arg3[%dma_wait3A_632, %dma_wait3A_633] : memref<100000x768xf32, #tpu.memory_space<hbm>> -> memref<100000x768xf32, #tpu.memory_space<hbm>>
    tpu.wait_indirect_dma semaphore(%arg9 : memref<!tpu.dma_semaphore, #tpu.memory_space<semaphore_mem>>) src(%dma_wait3A_634 : memref<100000x768xf32, #tpu.memory_space<hbm>>) dst(%dma_wait3A_631 : memref<16x768xf32, #tpu.memory_space<vmem>>)
    %add3A_635 = arith.constant 240 : i32
    %add3A_636 = arith.addi %mul3A_2, %add3A_635 : i32
    %dma_start3A_637 = arith.constant 6 : i32
    %dma_start3A_638 = arith.constant 0 : i32
    %dma_start3A_639 = arith.constant 0 : i32
    %dma_start3A_640 = tpu.memref_slice %arg7[%dma_start3A_637, %dma_start3A_638, %dma_start3A_639] : memref<9x16x768xf32, #tpu.memory_space<vmem>> -> memref<1x16x768xf32, #tpu.memory_space<vmem>>
    %dma_start3A_641 = tpu.memref_squeeze %dma_start3A_640 : memref<1x16x768xf32, #tpu.memory_space<vmem>> -> memref<16x768xf32, #tpu.memory_space<vmem>>
    %dma_start3A_642 = arith.constant 0 : i32
    %dma_start3A_643 = tpu.memref_slice %arg5[%add3A_636, %dma_start3A_642] : memref<8192x768xf32, #tpu.memory_space<hbm>> -> memref<16x768xf32, #tpu.memory_space<hbm>>
    %dma_start3A_644 = arith.constant 0 : i32
    %dma_start3A_645 = tpu.memref_slice %arg5[%add3A_636, %dma_start3A_644] : memref<8192x768xf32, #tpu.memory_space<hbm>> -> memref<16x768xf32, #tpu.memory_space<hbm>>
    %dma_start3A_646 = arith.constant 0 : i32
    %dma_start3A_647 = arith.constant 0 : i32
    %dma_start3A_648 = tpu.memref_slice %arg7[%dma_start3A_637, %dma_start3A_646, %dma_start3A_647] : memref<9x16x768xf32, #tpu.memory_space<vmem>> -> memref<1x16x768xf32, #tpu.memory_space<vmem>>
    %dma_start3A_649 = tpu.memref_squeeze %dma_start3A_648 : memref<1x16x768xf32, #tpu.memory_space<vmem>> -> memref<16x768xf32, #tpu.memory_space<vmem>>
    tpu.enqueue_dma source(%dma_start3A_649 : memref<16x768xf32, #tpu.memory_space<vmem>>) target(%dma_start3A_645 : memref<16x768xf32, #tpu.memory_space<hbm>>) target_semaphore(%arg10 : memref<!tpu.dma_semaphore, #tpu.memory_space<semaphore_mem>>)
    %dma_wait3A_650 = arith.constant 0 : i32
    %dma_wait3A_651 = arith.constant 0 : i32
    %dma_wait3A_652 = arith.constant 0 : i32
    %dma_wait3A_653 = tpu.memref_slice %arg7[%dma_wait3A_650, %dma_wait3A_651, %dma_wait3A_652] : memref<9x16x768xf32, #tpu.memory_space<vmem>> -> memref<1x16x768xf32, #tpu.memory_space<vmem>>
    %dma_wait3A_654 = tpu.memref_squeeze %dma_wait3A_653 : memref<1x16x768xf32, #tpu.memory_space<vmem>> -> memref<16x768xf32, #tpu.memory_space<vmem>>
    %dma_wait3A_655 = arith.constant 0 : i32
    %dma_wait3A_656 = tpu.memref_slice %arg5[%add3A_498, %dma_wait3A_655] : memref<8192x768xf32, #tpu.memory_space<hbm>> -> memref<16x768xf32, #tpu.memory_space<hbm>>
    %dma_wait3A_657 = arith.constant 0 : i32
    %dma_wait3A_658 = tpu.memref_slice %arg5[%add3A_498, %dma_wait3A_657] : memref<8192x768xf32, #tpu.memory_space<hbm>> -> memref<16x768xf32, #tpu.memory_space<hbm>>
    %dma_wait3A_659 = arith.constant 0 : i32
    %dma_wait3A_660 = arith.constant 0 : i32
    %dma_wait3A_661 = tpu.memref_slice %arg7[%dma_wait3A_650, %dma_wait3A_659, %dma_wait3A_660] : memref<9x16x768xf32, #tpu.memory_space<vmem>> -> memref<1x16x768xf32, #tpu.memory_space<vmem>>
    %dma_wait3A_662 = tpu.memref_squeeze %dma_wait3A_661 : memref<1x16x768xf32, #tpu.memory_space<vmem>> -> memref<16x768xf32, #tpu.memory_space<vmem>>
    tpu.wait_dma2 semaphore(%arg10 : memref<!tpu.dma_semaphore, #tpu.memory_space<semaphore_mem>>) src(%dma_wait3A_662 : memref<16x768xf32, #tpu.memory_space<vmem>>) dst(%dma_wait3A_658 : memref<16x768xf32, #tpu.memory_space<hbm>>)
    %dma_wait3A_663 = arith.constant 1 : i32
    %dma_wait3A_664 = arith.constant 0 : i32
    %dma_wait3A_665 = arith.constant 0 : i32
    %dma_wait3A_666 = tpu.memref_slice %arg7[%dma_wait3A_663, %dma_wait3A_664, %dma_wait3A_665] : memref<9x16x768xf32, #tpu.memory_space<vmem>> -> memref<1x16x768xf32, #tpu.memory_space<vmem>>
    %dma_wait3A_667 = tpu.memref_squeeze %dma_wait3A_666 : memref<1x16x768xf32, #tpu.memory_space<vmem>> -> memref<16x768xf32, #tpu.memory_space<vmem>>
    %dma_wait3A_668 = arith.constant 0 : i32
    %dma_wait3A_669 = tpu.memref_slice %arg5[%add3A_521, %dma_wait3A_668] : memref<8192x768xf32, #tpu.memory_space<hbm>> -> memref<16x768xf32, #tpu.memory_space<hbm>>
    %dma_wait3A_670 = arith.constant 0 : i32
    %dma_wait3A_671 = tpu.memref_slice %arg5[%add3A_521, %dma_wait3A_670] : memref<8192x768xf32, #tpu.memory_space<hbm>> -> memref<16x768xf32, #tpu.memory_space<hbm>>
    %dma_wait3A_672 = arith.constant 0 : i32
    %dma_wait3A_673 = arith.constant 0 : i32
    %dma_wait3A_674 = tpu.memref_slice %arg7[%dma_wait3A_663, %dma_wait3A_672, %dma_wait3A_673] : memref<9x16x768xf32, #tpu.memory_space<vmem>> -> memref<1x16x768xf32, #tpu.memory_space<vmem>>
    %dma_wait3A_675 = tpu.memref_squeeze %dma_wait3A_674 : memref<1x16x768xf32, #tpu.memory_space<vmem>> -> memref<16x768xf32, #tpu.memory_space<vmem>>
    tpu.wait_dma2 semaphore(%arg10 : memref<!tpu.dma_semaphore, #tpu.memory_space<semaphore_mem>>) src(%dma_wait3A_675 : memref<16x768xf32, #tpu.memory_space<vmem>>) dst(%dma_wait3A_671 : memref<16x768xf32, #tpu.memory_space<hbm>>)
    %dma_wait3A_676 = arith.constant 2 : i32
    %dma_wait3A_677 = arith.constant 0 : i32
    %dma_wait3A_678 = arith.constant 0 : i32
    %dma_wait3A_679 = tpu.memref_slice %arg7[%dma_wait3A_676, %dma_wait3A_677, %dma_wait3A_678] : memref<9x16x768xf32, #tpu.memory_space<vmem>> -> memref<1x16x768xf32, #tpu.memory_space<vmem>>
    %dma_wait3A_680 = tpu.memref_squeeze %dma_wait3A_679 : memref<1x16x768xf32, #tpu.memory_space<vmem>> -> memref<16x768xf32, #tpu.memory_space<vmem>>
    %dma_wait3A_681 = arith.constant 0 : i32
    %dma_wait3A_682 = tpu.memref_slice %arg5[%add3A_544, %dma_wait3A_681] : memref<8192x768xf32, #tpu.memory_space<hbm>> -> memref<16x768xf32, #tpu.memory_space<hbm>>
    %dma_wait3A_683 = arith.constant 0 : i32
    %dma_wait3A_684 = tpu.memref_slice %arg5[%add3A_544, %dma_wait3A_683] : memref<8192x768xf32, #tpu.memory_space<hbm>> -> memref<16x768xf32, #tpu.memory_space<hbm>>
    %dma_wait3A_685 = arith.constant 0 : i32
    %dma_wait3A_686 = arith.constant 0 : i32
    %dma_wait3A_687 = tpu.memref_slice %arg7[%dma_wait3A_676, %dma_wait3A_685, %dma_wait3A_686] : memref<9x16x768xf32, #tpu.memory_space<vmem>> -> memref<1x16x768xf32, #tpu.memory_space<vmem>>
    %dma_wait3A_688 = tpu.memref_squeeze %dma_wait3A_687 : memref<1x16x768xf32, #tpu.memory_space<vmem>> -> memref<16x768xf32, #tpu.memory_space<vmem>>
    tpu.wait_dma2 semaphore(%arg10 : memref<!tpu.dma_semaphore, #tpu.memory_space<semaphore_mem>>) src(%dma_wait3A_688 : memref<16x768xf32, #tpu.memory_space<vmem>>) dst(%dma_wait3A_684 : memref<16x768xf32, #tpu.memory_space<hbm>>)
    %dma_wait3A_689 = arith.constant 3 : i32
    %dma_wait3A_690 = arith.constant 0 : i32
    %dma_wait3A_691 = arith.constant 0 : i32
    %dma_wait3A_692 = tpu.memref_slice %arg7[%dma_wait3A_689, %dma_wait3A_690, %dma_wait3A_691] : memref<9x16x768xf32, #tpu.memory_space<vmem>> -> memref<1x16x768xf32, #tpu.memory_space<vmem>>
    %dma_wait3A_693 = tpu.memref_squeeze %dma_wait3A_692 : memref<1x16x768xf32, #tpu.memory_space<vmem>> -> memref<16x768xf32, #tpu.memory_space<vmem>>
    %dma_wait3A_694 = arith.constant 0 : i32
    %dma_wait3A_695 = tpu.memref_slice %arg5[%add3A_567, %dma_wait3A_694] : memref<8192x768xf32, #tpu.memory_space<hbm>> -> memref<16x768xf32, #tpu.memory_space<hbm>>
    %dma_wait3A_696 = arith.constant 0 : i32
    %dma_wait3A_697 = tpu.memref_slice %arg5[%add3A_567, %dma_wait3A_696] : memref<8192x768xf32, #tpu.memory_space<hbm>> -> memref<16x768xf32, #tpu.memory_space<hbm>>
    %dma_wait3A_698 = arith.constant 0 : i32
    %dma_wait3A_699 = arith.constant 0 : i32
    %dma_wait3A_700 = tpu.memref_slice %arg7[%dma_wait3A_689, %dma_wait3A_698, %dma_wait3A_699] : memref<9x16x768xf32, #tpu.memory_space<vmem>> -> memref<1x16x768xf32, #tpu.memory_space<vmem>>
    %dma_wait3A_701 = tpu.memref_squeeze %dma_wait3A_700 : memref<1x16x768xf32, #tpu.memory_space<vmem>> -> memref<16x768xf32, #tpu.memory_space<vmem>>
    tpu.wait_dma2 semaphore(%arg10 : memref<!tpu.dma_semaphore, #tpu.memory_space<semaphore_mem>>) src(%dma_wait3A_701 : memref<16x768xf32, #tpu.memory_space<vmem>>) dst(%dma_wait3A_697 : memref<16x768xf32, #tpu.memory_space<hbm>>)
    %dma_wait3A_702 = arith.constant 4 : i32
    %dma_wait3A_703 = arith.constant 0 : i32
    %dma_wait3A_704 = arith.constant 0 : i32
    %dma_wait3A_705 = tpu.memref_slice %arg7[%dma_wait3A_702, %dma_wait3A_703, %dma_wait3A_704] : memref<9x16x768xf32, #tpu.memory_space<vmem>> -> memref<1x16x768xf32, #tpu.memory_space<vmem>>
    %dma_wait3A_706 = tpu.memref_squeeze %dma_wait3A_705 : memref<1x16x768xf32, #tpu.memory_space<vmem>> -> memref<16x768xf32, #tpu.memory_space<vmem>>
    %dma_wait3A_707 = arith.constant 0 : i32
    %dma_wait3A_708 = tpu.memref_slice %arg5[%add3A_590, %dma_wait3A_707] : memref<8192x768xf32, #tpu.memory_space<hbm>> -> memref<16x768xf32, #tpu.memory_space<hbm>>
    %dma_wait3A_709 = arith.constant 0 : i32
    %dma_wait3A_710 = tpu.memref_slice %arg5[%add3A_590, %dma_wait3A_709] : memref<8192x768xf32, #tpu.memory_space<hbm>> -> memref<16x768xf32, #tpu.memory_space<hbm>>
    %dma_wait3A_711 = arith.constant 0 : i32
    %dma_wait3A_712 = arith.constant 0 : i32
    %dma_wait3A_713 = tpu.memref_slice %arg7[%dma_wait3A_702, %dma_wait3A_711, %dma_wait3A_712] : memref<9x16x768xf32, #tpu.memory_space<vmem>> -> memref<1x16x768xf32, #tpu.memory_space<vmem>>
    %dma_wait3A_714 = tpu.memref_squeeze %dma_wait3A_713 : memref<1x16x768xf32, #tpu.memory_space<vmem>> -> memref<16x768xf32, #tpu.memory_space<vmem>>
    tpu.wait_dma2 semaphore(%arg10 : memref<!tpu.dma_semaphore, #tpu.memory_space<semaphore_mem>>) src(%dma_wait3A_714 : memref<16x768xf32, #tpu.memory_space<vmem>>) dst(%dma_wait3A_710 : memref<16x768xf32, #tpu.memory_space<hbm>>)
    %dma_wait3A_715 = arith.constant 5 : i32
    %dma_wait3A_716 = arith.constant 0 : i32
    %dma_wait3A_717 = arith.constant 0 : i32
    %dma_wait3A_718 = tpu.memref_slice %arg7[%dma_wait3A_715, %dma_wait3A_716, %dma_wait3A_717] : memref<9x16x768xf32, #tpu.memory_space<vmem>> -> memref<1x16x768xf32, #tpu.memory_space<vmem>>
    %dma_wait3A_719 = tpu.memref_squeeze %dma_wait3A_718 : memref<1x16x768xf32, #tpu.memory_space<vmem>> -> memref<16x768xf32, #tpu.memory_space<vmem>>
    %dma_wait3A_720 = arith.constant 0 : i32
    %dma_wait3A_721 = tpu.memref_slice %arg5[%add3A_613, %dma_wait3A_720] : memref<8192x768xf32, #tpu.memory_space<hbm>> -> memref<16x768xf32, #tpu.memory_space<hbm>>
    %dma_wait3A_722 = arith.constant 0 : i32
    %dma_wait3A_723 = tpu.memref_slice %arg5[%add3A_613, %dma_wait3A_722] : memref<8192x768xf32, #tpu.memory_space<hbm>> -> memref<16x768xf32, #tpu.memory_space<hbm>>
    %dma_wait3A_724 = arith.constant 0 : i32
    %dma_wait3A_725 = arith.constant 0 : i32
    %dma_wait3A_726 = tpu.memref_slice %arg7[%dma_wait3A_715, %dma_wait3A_724, %dma_wait3A_725] : memref<9x16x768xf32, #tpu.memory_space<vmem>> -> memref<1x16x768xf32, #tpu.memory_space<vmem>>
    %dma_wait3A_727 = tpu.memref_squeeze %dma_wait3A_726 : memref<1x16x768xf32, #tpu.memory_space<vmem>> -> memref<16x768xf32, #tpu.memory_space<vmem>>
    tpu.wait_dma2 semaphore(%arg10 : memref<!tpu.dma_semaphore, #tpu.memory_space<semaphore_mem>>) src(%dma_wait3A_727 : memref<16x768xf32, #tpu.memory_space<vmem>>) dst(%dma_wait3A_723 : memref<16x768xf32, #tpu.memory_space<hbm>>)
    %dma_wait3A_728 = arith.constant 6 : i32
    %dma_wait3A_729 = arith.constant 0 : i32
    %dma_wait3A_730 = arith.constant 0 : i32
    %dma_wait3A_731 = tpu.memref_slice %arg7[%dma_wait3A_728, %dma_wait3A_729, %dma_wait3A_730] : memref<9x16x768xf32, #tpu.memory_space<vmem>> -> memref<1x16x768xf32, #tpu.memory_space<vmem>>
    %dma_wait3A_732 = tpu.memref_squeeze %dma_wait3A_731 : memref<1x16x768xf32, #tpu.memory_space<vmem>> -> memref<16x768xf32, #tpu.memory_space<vmem>>
    %dma_wait3A_733 = arith.constant 0 : i32
    %dma_wait3A_734 = tpu.memref_slice %arg5[%add3A_636, %dma_wait3A_733] : memref<8192x768xf32, #tpu.memory_space<hbm>> -> memref<16x768xf32, #tpu.memory_space<hbm>>
    %dma_wait3A_735 = arith.constant 0 : i32
    %dma_wait3A_736 = tpu.memref_slice %arg5[%add3A_636, %dma_wait3A_735] : memref<8192x768xf32, #tpu.memory_space<hbm>> -> memref<16x768xf32, #tpu.memory_space<hbm>>
    %dma_wait3A_737 = arith.constant 0 : i32
    %dma_wait3A_738 = arith.constant 0 : i32
    %dma_wait3A_739 = tpu.memref_slice %arg7[%dma_wait3A_728, %dma_wait3A_737, %dma_wait3A_738] : memref<9x16x768xf32, #tpu.memory_space<vmem>> -> memref<1x16x768xf32, #tpu.memory_space<vmem>>
    %dma_wait3A_740 = tpu.memref_squeeze %dma_wait3A_739 : memref<1x16x768xf32, #tpu.memory_space<vmem>> -> memref<16x768xf32, #tpu.memory_space<vmem>>
    tpu.wait_dma2 semaphore(%arg10 : memref<!tpu.dma_semaphore, #tpu.memory_space<semaphore_mem>>) src(%dma_wait3A_740 : memref<16x768xf32, #tpu.memory_space<vmem>>) dst(%dma_wait3A_736 : memref<16x768xf32, #tpu.memory_space<hbm>>)
    %dma_wait3A_741 = arith.constant 7 : i32
    %dma_wait3A_742 = arith.constant 0 : i32
    %dma_wait3A_743 = arith.constant 0 : i32
    %dma_wait3A_744 = tpu.memref_slice %arg7[%dma_wait3A_741, %dma_wait3A_742, %dma_wait3A_743] : memref<9x16x768xf32, #tpu.memory_space<vmem>> -> memref<1x16x768xf32, #tpu.memory_space<vmem>>
    %dma_wait3A_745 = tpu.memref_squeeze %dma_wait3A_744 : memref<1x16x768xf32, #tpu.memory_space<vmem>> -> memref<16x768xf32, #tpu.memory_space<vmem>>
    %dma_wait3A_746 = arith.constant 0 : i32
    %dma_wait3A_747 = tpu.memref_slice %arg5[%add3A_452, %dma_wait3A_746] : memref<8192x768xf32, #tpu.memory_space<hbm>> -> memref<16x768xf32, #tpu.memory_space<hbm>>
    %dma_wait3A_748 = arith.constant 0 : i32
    %dma_wait3A_749 = tpu.memref_slice %arg5[%add3A_452, %dma_wait3A_748] : memref<8192x768xf32, #tpu.memory_space<hbm>> -> memref<16x768xf32, #tpu.memory_space<hbm>>
    %dma_wait3A_750 = arith.constant 0 : i32
    %dma_wait3A_751 = arith.constant 0 : i32
    %dma_wait3A_752 = tpu.memref_slice %arg7[%dma_wait3A_741, %dma_wait3A_750, %dma_wait3A_751] : memref<9x16x768xf32, #tpu.memory_space<vmem>> -> memref<1x16x768xf32, #tpu.memory_space<vmem>>
    %dma_wait3A_753 = tpu.memref_squeeze %dma_wait3A_752 : memref<1x16x768xf32, #tpu.memory_space<vmem>> -> memref<16x768xf32, #tpu.memory_space<vmem>>
    tpu.wait_dma2 semaphore(%arg10 : memref<!tpu.dma_semaphore, #tpu.memory_space<semaphore_mem>>) src(%dma_wait3A_753 : memref<16x768xf32, #tpu.memory_space<vmem>>) dst(%dma_wait3A_749 : memref<16x768xf32, #tpu.memory_space<hbm>>)
    %dma_wait3A_754 = arith.constant 8 : i32
    %dma_wait3A_755 = arith.constant 0 : i32
    %dma_wait3A_756 = arith.constant 0 : i32
    %dma_wait3A_757 = tpu.memref_slice %arg7[%dma_wait3A_754, %dma_wait3A_755, %dma_wait3A_756] : memref<9x16x768xf32, #tpu.memory_space<vmem>> -> memref<1x16x768xf32, #tpu.memory_space<vmem>>
    %dma_wait3A_758 = tpu.memref_squeeze %dma_wait3A_757 : memref<1x16x768xf32, #tpu.memory_space<vmem>> -> memref<16x768xf32, #tpu.memory_space<vmem>>
    %dma_wait3A_759 = arith.constant 0 : i32
    %dma_wait3A_760 = tpu.memref_slice %arg5[%add3A_475, %dma_wait3A_759] : memref<8192x768xf32, #tpu.memory_space<hbm>> -> memref<16x768xf32, #tpu.memory_space<hbm>>
    %dma_wait3A_761 = arith.constant 0 : i32
    %dma_wait3A_762 = tpu.memref_slice %arg5[%add3A_475, %dma_wait3A_761] : memref<8192x768xf32, #tpu.memory_space<hbm>> -> memref<16x768xf32, #tpu.memory_space<hbm>>
    %dma_wait3A_763 = arith.constant 0 : i32
    %dma_wait3A_764 = arith.constant 0 : i32
    %dma_wait3A_765 = tpu.memref_slice %arg7[%dma_wait3A_754, %dma_wait3A_763, %dma_wait3A_764] : memref<9x16x768xf32, #tpu.memory_space<vmem>> -> memref<1x16x768xf32, #tpu.memory_space<vmem>>
    %dma_wait3A_766 = tpu.memref_squeeze %dma_wait3A_765 : memref<1x16x768xf32, #tpu.memory_space<vmem>> -> memref<16x768xf32, #tpu.memory_space<vmem>>
    tpu.wait_dma2 semaphore(%arg10 : memref<!tpu.dma_semaphore, #tpu.memory_space<semaphore_mem>>) src(%dma_wait3A_766 : memref<16x768xf32, #tpu.memory_space<vmem>>) dst(%dma_wait3A_762 : memref<16x768xf32, #tpu.memory_space<hbm>>)
    return
  }
}

</mosaic_0001>

<sc_bundles>
// kernel: kernel.3.cloned.1.call-start
scs
__scs_entry_jumppad:
0x0: {  	(pc) =	sbr.rel $0x88, $3  }
0x1: {  	(tag) =	ssettag $0x0;
	lr =	simm.s32 $0x1  }
0x2: {  	[smem:$0x3F9E] =	sst lr;
	_ =	strace $0xD0000000  }
0x3: {  	_ = 	snop  }
0x4: {  	_ = 	snop  }
0x5: {  	_ = 	snop  }
0x6: {  	_ = 	snop  }
0x7: {  	_ = 	snop  }
__scs_overlays_trampoline_lowered:
0x8: {  	[smem:$0x3FAD] =	sst s0  }
0x9: {  	[smem:$0x3FAE] =	sst s1  }
0xa: {  	[smem:$0x3FAF] =	sst s2  }
0xb: {  	[smem:$0x3FB0] =	sst s3  }
0xc: {  	[smem:$0x3FB1] =	sst s4  }
0xd: {  	[smem:$0x3FB2] =	sst s5  }
0xe: {  	[smem:$0x3FB3] =	sst s6  }
0xf: {  	[smem:$0x3FB4] =	sst s7  }
0x10: {  	[smem:$0x3FB5] =	sst s8  }
0x11: {  	[smem:$0x3FB6] =	sst s9;
	s0 =	simm.s32 @!p0 $0x0  }
0x12: {  	s1 =	sld [smem:$0x3F9C];
	s0 =	simm.s32 @p0 $0x1  }
0x13: {  	[smem:$0x3FB7] =	sst s0;
	s0 =	simm.s32 @!p1 $0x0  }
0x14: {  	s2 =	sld [smem:$0x3F9B];
	s0 =	simm.s32 @p1 $0x1  }
0x15: {  	[smem:$0x3FB8] =	sst s0;
	s0 =	simm.s32 @!p2 $0x0  }
0x16: {  	s3 =	sld [smem:$0x3FDB];
	s0 =	simm.s32 @p2 $0x1  }
0x17: {  	s4 =	simm.s32 $0x1BF5;
	[smem:$0x3FBA] =	sst s0  }
0x18: {  	s0 =	sld [smem:$0x3F9D];
	_ =	swait.ge [sflag:s4], $0x0  }
0x19: {  	s7 =	sld [smem:$0x3F9E]  }
0x1a: {  	s8 =	sadd.s32 $0xFFFFE003, lr  }
0x1b: {  	s9 =	sadd.s32 $0xFFFFFEF7, lr;
	s5 =	simm.s32 $0xFFFFFFFF;
	p2 =	slt.u32 s8, $0xFFFFF086  }
0x1c: {  	p1 =	slt.u32 s9, $0xF7A;
	s5 =	simm.s32 @!p2 $0x0  }
0x1d: {  	s5 =	simm.s32 @p1 $0x1;
	p0 =	seq.s32 s7, s2  }
0x1e: {  	s7 =	smul.u32 @!p0 $0xF7A, s2;
	p2 =	seq.s32 @!p0 s5, $0x0  }
0x1f: {  	s9 =	smul.u32 $0xF7A, s1;
	s8 =	simm.s32 @!p0 $0x1BF5;
	p2 =	por !p2, p0  }
0x20: {  	[sflag:s8] =	ssyncset.s32 @!p0 $0xFFFFF086;
	s6 =	sadd.s32 @!p0 s3, s7;
	s7 =	simm.s32 @!p0 $0x108  }
0x21: {  	s3 =	sadd.s32 s3, s9;
	s6 =	sadd.s32 @!p0 $0x88, s6;
	s7 =	simm.s32 @p2 $0x1082  }
0x22: {  	[simem:s7], [sflag:s8] =	dma.local @!p0 [hbm:s6], $0xF7A  }
0x23: {  	s9 =	sor.u32 $0xD0000000, s2;
	s6 =	simm.s32 $0x108;
	_ =	swait.ge @!p0 [sflag:s8], $0x0  }
0x24: {  	s3 =	sadd.s32 $0x88, s3;
	s6 =	simm.s32 @!p1 $0x1082;
	[sflag:s4] =	ssyncset.s32 $0xFFFFF086  }
0x25: {  	[simem:s6], [sflag:s4] =	dma.local [hbm:s3], $0xF7A  }
0x26: {  	[smem:$0x3F9E] =	sst s1;
	(tag) =	ssettag s2;
	_ =	strace s9  }
0x27: {  	s1 =	sld [smem:$0x3FAE]  }
0x28: {  	s2 =	sld [smem:$0x3FAF]  }
0x29: {  	s4 =	sld [smem:$0x3FB1]  }
0x2a: {  	p0 =	seq.s32 s5, $0x0;
	s5 =	sld [smem:$0x3FB2]  }
0x2b: {  	s6 =	sld [smem:$0x3FB3]  }
0x2c: {  	s7 =	sld [smem:$0x3FB4]  }
0x2d: {  	s3 =	simm.s32 $0x108;
	s8 =	sld [smem:$0x3FB5]  }
0x2e: {  	s3 =	simm.s32 @!p0 $0x1082;
	s9 =	sld [smem:$0x3FB6]  }
0x2f: {  	lr =	sadd.s32 s0, s3;
	s0 =	sld [smem:$0x3FAD]  }
0x30: {  	s3 =	sld [smem:$0x3FB0]  }
0x31: {  	[smem:$0x3FB9] =	sst s10  }
0x32: {  	s10 =	sld [smem:$0x3FB7];
	_ =	sdelay $0x3  }
0x33: {  	p0 =	seq.s32 s10, $0x1;
	s10 =	sld [smem:$0x3FB9];
	_ =	sdelay $0x3  }
0x34: {  	[smem:$0x3FB9] =	sst s10  }
0x35: {  	s10 =	sld [smem:$0x3FB8];
	_ =	sdelay $0x3  }
0x36: {  	p1 =	seq.s32 s10, $0x1;
	s10 =	sld [smem:$0x3FB9];
	_ =	sdelay $0x3  }
0x37: {  	[smem:$0x3FB9] =	sst s10  }
0x38: {  	s10 =	sld [smem:$0x3FBA]  }
0x39: {  	_ = 	snop;
	(pc) =	sbr.ind lr, $3  }
0x3a: {  	_ = 	snop  }
0x3b: {  	_ = 	snop  }
0x3c: {  	p2 =	seq.s32 s10, $0x1;
	s10 =	sld [smem:$0x3FB9]  }
0x3d: {  	_ =	shalt  }
0x3e: {  	_ =	shalt  }
0x3f: {  	_ =	shalt  }
0x40: {  	_ =	shalt  }
0x41: {  	_ =	shalt  }
0x42: {  	_ =	shalt  }
0x43: {  	_ =	shalt  }
0x44: {  	_ =	shalt  }
0x45: {  	_ =	shalt  }
0x46: {  	_ =	shalt  }
0x47: {  	_ =	shalt  }
0x48: {  	_ =	shalt  }
0x49: {  	_ =	shalt  }
0x4a: {  	_ =	shalt  }
0x4b: {  	_ =	shalt  }
0x4c: {  	_ =	shalt  }
0x4d: {  	_ =	shalt  }
0x4e: {  	_ =	shalt  }
0x4f: {  	_ =	shalt  }
0x50: {  	_ =	shalt  }
0x51: {  	_ =	shalt  }
0x52: {  	_ =	shalt  }
0x53: {  	_ =	shalt  }
0x54: {  	_ =	shalt  }
0x55: {  	_ =	shalt  }
0x56: {  	_ =	shalt  }
0x57: {  	_ =	shalt  }
0x58: {  	_ =	shalt  }
0x59: {  	_ =	shalt  }
0x5a: {  	_ =	shalt  }
0x5b: {  	_ =	shalt  }
0x5c: {  	_ =	shalt  }
0x5d: {  	_ =	shalt  }
0x5e: {  	_ =	shalt  }
0x5f: {  	_ =	shalt  }
0x60: {  	_ =	shalt  }
0x61: {  	_ =	shalt  }
0x62: {  	_ =	shalt  }
0x63: {  	_ =	shalt  }
0x64: {  	_ =	shalt  }
0x65: {  	_ =	shalt  }
0x66: {  	_ =	shalt  }
0x67: {  	_ =	shalt  }
0x68: {  	_ =	shalt  }
0x69: {  	_ =	shalt  }
0x6a: {  	_ =	shalt  }
0x6b: {  	_ =	shalt  }
0x6c: {  	_ =	shalt  }
0x6d: {  	_ =	shalt  }
0x6e: {  	_ =	shalt  }
0x6f: {  	_ =	shalt  }
0x70: {  	_ =	shalt  }
0x71: {  	_ =	shalt  }
0x72: {  	_ =	shalt  }
0x73: {  	_ =	shalt  }
0x74: {  	_ =	shalt  }
0x75: {  	_ =	shalt  }
0x76: {  	_ =	shalt  }
0x77: {  	_ =	shalt  }
0x78: {  	_ =	shalt  }
0x79: {  	_ =	shalt  }
0x7a: {  	_ =	shalt  }
0x7b: {  	_ =	shalt  }
0x7c: {  	_ =	shalt  }
0x7d: {  	_ =	shalt  }
0x7e: {  	_ =	shalt  }
0x7f: {  	_ =	shalt  }
0x80: {  	_ =	shalt  }
0x81: {  	_ =	shalt  }
0x82: {  	_ =	shalt  }
0x83: {  	_ =	shalt  }
0x84: {  	_ =	shalt  }
0x85: {  	_ =	shalt  }
0x86: {  	_ =	shalt  }
0x87: {  	_ =	shalt  }
.Lfunc_end0:
.L_simem_size_0:
called_computation_lowered:
.L_overlay_start_0:
0x88: {  	s2 =	sld [smem:$0x3FD9]  }
0x89: {  	s3 =	sld [smem:$0x3FFE];
	_ =	sdelay $0x1  }
0x8a: {  	s1 =	srdreg.scid  }
0x8b: {  	s0 =	sand.u32 $0x1, s1  }
0x8c: {  	s17 =	sshll.u32 s0, $0xA;
	s2 =	sadd.s32 s3, s2  }
0x8d: {  	s2 =	sadd.s32 s2, s17  }
0x8e: {  	[smem:$0x3FC5] =	sst s2  }
0x8f: {  	_ = 	snop  }
0x90: {  	s2 =	sld [smem:$0x3FC8]  }
0x91: {  	s18 =	sld [smem:$0x3FC7]  }
0x92: {  	s4 =	sld [smem:$0x3FD0];
	(tm) =	ssettm $0x1  }
0x93: {  	s5 =	sld [smem:$0x3FFB];
	_ =	sdelay $0x3  }
0x94: {  	_ =	strace s5  }
0x95: {  	s5 =	sld [smem:$0x3FFC];
	_ =	sdelay $0x3  }
0x96: {  	_ =	strace s5  }
0x97: {  	s5 =	sld [smem:$0x3FFD];
	_ =	sdelay $0x3  }
0x98: {  	_ =	strace s5  }
0x99: {  	_ =	strace $0x8FFFFFFF  }
0x9a: {  	s19 =	sld [smem:$0x3FDB];
	_ =	sdelay $0x1  }
0x9b: {  	s6 =	simm.s32 $_scs_section_size  }
0x9c: {  	s7 =	simm.s32 $_size__tile_overlayer_lowered;
	s8 =	simm.s32 $_tile_overlayer_lowered  }
0x9d: {  	s22 =	simm.s32 $0x1BFF;
	s21 =	sshll.u32 s8, $0x1;
	s5 =	sadd.s32 s6, s19  }
0x9e: {  	s9 =	simm.s32 $0x0;
	s20 =	sshll.u32 s7, $0x1;
	s7 =	sadd.s32 s21, s5  }
0x9f: {  	[timem:s9], [sflag:s22] =	dma.local [hbm:s7], s20  }
0xa0: {  	_ =	swait.ge [sflag:s22], s20  }
0xa1: {  	s6 =	ssub.s32 $0x0, s20;
	[sflag:s22] =	ssyncset.done $0x0  }
0xa2: {  	[sflag:s22] =	ssyncadd.s32 s6;
	_ =	sdelay $0x1  }
0xa3: {  	s23 =	simm.s32 $0x1B8B  }
0xa4: {  	_ =	swait.ge [sflag:s23], $0x1  }
0xa5: {  	[sflag:s23] =	ssyncset.done $0x0  }
0xa6: {  	s25 =	simm.s32 $0x1B8E;
	s24 =	sld [smem:$0x3FFE];
	[sflag:s23] =	ssyncadd.s32 $0xFFFFFFFF  }
0xa7: {  	s26 =	simm.s32 $execute0_lowered;
	[smem:$0x3FD2] =	sst s25  }
0xa8: {  	s7 =	sshll.u32 s26, $0x1;
	_ =	strace $0x80000046;
	[dreg:$0x1] =	wrdreg $0xFFFFFFFF  }
0xa9: {  	s28 =	simm.s32 $_size_execute0_lowered;
	s5 =	sadd.s32 s5, s7;
	[dreg:$0x0] =	wrdreg $0x0  }
0xaa: {  	s7 =	sshll.u32 s28, $0x1;
	[dreg:$0x2] =	wrdreg s5  }
0xab: {  	[dreg:$0x3] =	wrdreg s7  }
0xac: {  	[dreg:$0x4] =	wrdreg $0xC0  }
0xad: {  	_ =	task [dreg:s9], $0x5FFFF  }
0xae: {  	[dreg:$0x1] =	wrdreg $0xFFFFFFFF  }
0xaf: {  	[dreg:$0x0] =	wrdreg $0x60  }
0xb0: {  	[dreg:$0x2] =	wrdreg s24  }
0xb1: {  	[dreg:$0x3] =	wrdreg s2  }
0xb2: {  	[dreg:$0x4] =	wrdreg s18  }
0xb3: {  	[dreg:$0x5] =	wrdreg s4  }
0xb4: {  	[dreg:$0x6] =	wrdreg $0x9  }
0xb5: {  	_ =	task.clear_ibuf [dreg:s9], $0x7FFFF;
	_ =	strace $0x90000046  }
0xb6: {  	s29 =	simm.s32 $0x9;
	_ =	strace $0x80000048  }
0xb7: {  	_ =	swait.ge [sflag:s29], $0x1  }
0xb8: {  	[sflag:s29] =	ssyncadd.s32 $0xFFFFFFFF  }
0xb9: {  	_ =	strace $0x90000048  }
0xba: {  	_ =	sfence  }
0xbb: {  	s30 =	sld [smem:$0x0];
	_ =	sdelay $0x2  }
0xbc: {  	s31 =	sshll.u32 s1, $0xD;
	s1 =	sshrl.u32 s1, $0x2  }
0xbd: {  	s3 =	sand.u32 $0x4000, s31;
	s1 =	sadd.s32 s1, s30  }
0xbe: {  	s0 =	sor.u32 s3, s0;
	s1 =	sshll.u32 s1, $0x11  }
0xbf: {  	s0 =	sor.u32 s1, s0  }
0xc0: {  	s0 =	sadd.s32 $0x8F2B, s0  }
0xc1: {  	[sflag:s0] =	ssyncadd.remote.s32 $0x1  }
0xc2: {  	_ =	sfence.sel $0xFFFF  }
0xc3: {  	[dreg:$0x0] =	wrdreg $0xFFFFFFFF;
	(pc) =	sbr.abs _section_cstart, $3  }
0xc4: {  	[dreg:$0x1] =	wrdreg $0xFFFFFFFF  }
0xc5: {  	_ =	task.clear_ibuf [dreg:s9], $0x2FFFF;
	_ =	strace $0x9FFFFFFF  }
0xc6: {  	(tm) =	ssettm $0x7FFFFFFF  }
0xc7: {  	_ =	shalt  }
tec
execute0_lowered:
.L_overlay_start_1:
0x0: {  	(tag) =	ssettag $0x1  }
0x1: {  	s0 =	rddreg [dreg:$0x0];
	s3 =	srdreg.scid  }
0x2: {  	s1 =	rddreg [dreg:$0x1];
	s7 =	stileid.u32;
	s3 =	sand.u32 $0x1, s3  }
0x3: {  	s2 =	rddreg [dreg:$0x3];
	s6 =	sshll.u32 s7, $0x5;
	s5 =	sshll.u32 s3, $0x9  }
0x4: {  	s4 =	simm.s32 $0x0;
	s3 =	ssub.s32 $0x2, s3;
	s5 =	sor.u32 s6, s5  }
0x5: {  	[smem:$0x7FF] =	sst s4;
	s13 =	sshrl.u32 s3, $0x1;
	s0 =	sadd.s32 s5, s0  }
0x6: {  	s3 =	ssub.s32 s3, s13;
	s8 =	smul.u32 $0x300, s5;
	s0 =	sadd.s32 $0x400, s0  }
0x7: {  	_ =	strace $0x80000047;
	s30 =	smax.u32 s3, $0x1;
	[dreg:$0x7] =	wrdreg s0  }
0x8: {  	s15 =	sadd.s32 s2, s8;
	[dreg:$0x5] =	wrdreg s30  }
0x9: {  	s8 =	sadd.s32 $0x600, s15;
	[dreg:$0x6] =	wrdreg s15  }
0xa: {  	s14 =	smul.u32 $0x1800, s5;
	s16 =	sadd.s32 $0xC00, s15;
	[dreg:$0x8] =	wrdreg s8  }
0xb: {  	s17 =	sadd.s32 $0x1200, s15;
	[dreg:$0x9] =	wrdreg s16  }
0xc: {  	s0 =	sshrl.u32 s14, $0x3;
	s18 =	sadd.s32 $0x1800, s15;
	[dreg:$0xa] =	wrdreg s17  }
0xd: {  	s0 =	sadd.s32 s2, s0;
	s19 =	sadd.s32 $0x1E00, s15;
	[dreg:$0xb] =	wrdreg s18  }
0xe: {  	[dreg:$0xc] =	wrdreg s19;
	s20 =	sadd.s32 $0x2400, s0  }
0xf: {  	s21 =	sadd.s32 $0x2A00, s0;
	[dreg:$0xd] =	wrdreg s20  }
0x10: {  	s22 =	sadd.s32 $0x3000, s0;
	[dreg:$0xe] =	wrdreg s21  }
0x11: {  	s31 =	simm.s32 $0x0;
	s23 =	sadd.s32 $0x3600, s0;
	[dreg:$0xf] =	wrdreg s22  }
0x12: {  	s9 =	sand.u32 $0x7, s7;
	s24 =	sadd.s32 $0x3C00, s0;
	[dreg:$0x10] =	wrdreg s23  }
0x13: {  	s7 =	sadd.s32 $0x200, s1;
	s25 =	sadd.s32 $0x4200, s0;
	[dreg:$0x11] =	wrdreg s24  }
.Ltmp0:
0x14: {  	s26 =	sadd.s32 $0x4800, s0;
	[dreg:$0x12] =	wrdreg s25;
	(pc) =	sbr.rel .LBB2_1-.Ltmp0, $4  }
0x15: {  	p0 =	sne.s32 s9, $0x0;
	s28 =	sadd.s32 $0x4E00, s0;
	[dreg:$0x13] =	wrdreg s26  }
0x16: {  	v2 =	vlaneseq.u32;
	s6 =	sadd.s32 $0x100, s1;
	s29 =	sadd.s32 $0x5400, s0;
	[dreg:$0x14] =	wrdreg s28  }
0x17: {  	vm0 =	vmmov $0xffff;
	v1 =	vshrl.u32 v2, $0x3;
	s3 =	simm.s32 $0x100;
	s0 =	sadd.s32 $0x5A00, s0;
	[dreg:$0x15] =	wrdreg s29  }
0x18: {  	v0 =	vand.u32 $0x7, v2;
	v2 =	vor.u32 $0x8, v2;
	v1 =	vmul.u32 $0x8, v1;
	[dreg:$0x16] =	wrdreg s0;
	s21 =	simm.s32 $0x1;
	s22 =	simm.s32 $0x2  }
.LBB2_5:
0x19: {  	s30 =	rddreg [dreg:$0x6];
	s2 =	simm.s32 $0x100  }
0x1a: {  	[hbm4b:s30+s4] =	stream.linear.scatter [tilespmem:s2], [sflag:$0x2], $0x3000, $0x38;
	[tilespmem:$0x1E100] =	vst v63  }
0x1b: {  	_ =	swait.ge [sflag:s22], $0x3000  }
0x1c: {  	[sflag:s22] =	ssyncset.done $0x0  }
0x1d: {  	[sflag:s22] =	ssyncadd.s32 $0xFFFFD000  }
0x1e: {  	v3 =	vld [tilespmem:$0x90];
	_ =	sdelay $0x4  }
0x1f: {  	v4 =	vshrl.u32 v3, $0x3  }
0x20: {  	v4 =	vmul.u32 $0x30, v4  }
0x21: {  	v3 =	vand.u32 $0x7, v3  }
0x22: {  	v3 =	vor.u32 v3, v4  }
0x23: {  	v4 =	vperm.xlane v3, v0;
	_ =	sdelay $0x1  }
0x24: {  	v4 =	vadd.s32 v1, v4;
	_ =	sdelay $0x3  }
0x25: {  	v3 =	vperm.xlane v3, v2  }
0x26: {  	[tilespmem:s2], [sflag:$0x1] =	stream.indirect_vreg.gather [hbm4b:s1+s4], $0x80, v4, vm0, $0xb8;
	[tilespmem:$0x1E100] =	vst v63  }
0x27: {  	v3 =	vadd.s32 v1, v3  }
0x28: {  	[tilespmem:s3], [sflag:$0x1] =	stream.indirect_vreg.gather [hbm4b:s6+s4], $0x80, v4, vm0, $0xb8;
	[tilespmem:$0x1E100] =	vst v63  }
0x29: {  	_ = 	snop  }
0x2a: {  	[tilespmem:s0], [sflag:$0x1] =	stream.indirect_vreg.gather [hbm4b:s7+s4], $0x80, v4, vm0, $0xb8;
	[tilespmem:$0x1E100] =	vst v63  }
0x2b: {  	_ = 	snop  }
0x2c: {  	[tilespmem:s5], [sflag:$0x1] =	stream.indirect_vreg.gather [hbm4b:s1+s4], $0x80, v3, vm0, $0xb8;
	[tilespmem:$0x1E100] =	vst v63  }
0x2d: {  	_ = 	snop  }
0x2e: {  	[tilespmem:s10], [sflag:$0x1] =	stream.indirect_vreg.gather [hbm4b:s6+s4], $0x80, v3, vm0, $0xb8;
	[tilespmem:$0x1E100] =	vst v63  }
0x2f: {  	_ = 	snop  }
0x30: {  	[tilespmem:s11], [sflag:$0x1] =	stream.indirect_vreg.gather [hbm4b:s7+s4], $0x80, v3, vm0, $0xb8;
	[tilespmem:$0x1E100] =	vst v63  }
0x31: {  	_ =	swait.ge [sflag:s21], $0x3000  }
0x32: {  	[sflag:s21] =	ssyncset.done $0x0  }
0x33: {  	s11 =	rddreg [dreg:$0x8];
	[sflag:s21] =	ssyncadd.s32 $0xFFFFD000  }
0x34: {  	[hbm4b:s11+s4] =	stream.linear.scatter [tilespmem:s13], [sflag:$0x2], $0x3000, $0x38;
	[tilespmem:$0x1E100] =	vst v63  }
0x35: {  	_ =	swait.ge [sflag:s22], $0x3000  }
0x36: {  	[sflag:s22] =	ssyncset.done $0x0  }
0x37: {  	[sflag:s22] =	ssyncadd.s32 $0xFFFFD000  }
0x38: {  	v3 =	vld [tilespmem:$0xA0];
	_ =	sdelay $0x4  }
0x39: {  	v58 =	vshrl.u32 v3, $0x3  }
0x3a: {  	v4 =	vmul.u32 $0x30, v58  }
0x3b: {  	v3 =	vand.u32 $0x7, v3  }
0x3c: {  	v3 =	vor.u32 v3, v4  }
0x3d: {  	v4 =	vperm.xlane v3, v0;
	_ =	sdelay $0x1  }
0x3e: {  	v4 =	vadd.s32 v1, v4;
	_ =	sdelay $0x3  }
0x3f: {  	v3 =	vperm.xlane v3, v2  }
0x40: {  	[tilespmem:s13], [sflag:$0x1] =	stream.indirect_vreg.gather [hbm4b:s1+s4], $0x80, v4, vm0, $0xb8;
	[tilespmem:$0x1E100] =	vst v63  }
0x41: {  	v3 =	vadd.s32 v1, v3  }
0x42: {  	[tilespmem:s15], [sflag:$0x1] =	stream.indirect_vreg.gather [hbm4b:s6+s4], $0x80, v4, vm0, $0xb8;
	[tilespmem:$0x1E100] =	vst v63  }
0x43: {  	_ = 	snop  }
0x44: {  	[tilespmem:s16], [sflag:$0x1] =	stream.indirect_vreg.gather [hbm4b:s7+s4], $0x80, v4, vm0, $0xb8;
	[tilespmem:$0x1E100] =	vst v63  }
0x45: {  	_ = 	snop  }
0x46: {  	[tilespmem:s17], [sflag:$0x1] =	stream.indirect_vreg.gather [hbm4b:s1+s4], $0x80, v3, vm0, $0xb8;
	[tilespmem:$0x1E100] =	vst v63  }
0x47: {  	_ = 	snop  }
0x48: {  	[tilespmem:s19], [sflag:$0x1] =	stream.indirect_vreg.gather [hbm4b:s6+s4], $0x80, v3, vm0, $0xb8;
	[tilespmem:$0x1E100] =	vst v63  }
0x49: {  	_ = 	snop  }
0x4a: {  	[tilespmem:s23], [sflag:$0x1] =	stream.indirect_vreg.gather [hbm4b:s7+s4], $0x80, v3, vm0, $0xb8;
	[tilespmem:$0x1E100] =	vst v63  }
0x4b: {  	_ =	swait.ge [sflag:s21], $0x3000  }
0x4c: {  	[sflag:s21] =	ssyncset.done $0x0  }
0x4d: {  	s23 =	rddreg [dreg:$0x9];
	[sflag:s21] =	ssyncadd.s32 $0xFFFFD000  }
0x4e: {  	[hbm4b:s23+s4] =	stream.linear.scatter [tilespmem:s20], [sflag:$0x2], $0x3000, $0x38;
	[tilespmem:$0x1E100] =	vst v63  }
0x4f: {  	_ =	swait.ge [sflag:s22], $0x3000  }
0x50: {  	[sflag:s22] =	ssyncset.done $0x0  }
0x51: {  	[sflag:s22] =	ssyncadd.s32 $0xFFFFD000  }
0x52: {  	v3 =	vld [tilespmem:$0xB0];
	_ =	sdelay $0x4  }
0x53: {  	v59 =	vshrl.u32 v3, $0x3  }
0x54: {  	v4 =	vmul.u32 $0x30, v59  }
0x55: {  	v3 =	vand.u32 $0x7, v3  }
0x56: {  	v3 =	vor.u32 v3, v4  }
0x57: {  	v4 =	vperm.xlane v3, v0;
	_ =	sdelay $0x1  }
0x58: {  	v4 =	vadd.s32 v1, v4;
	_ =	sdelay $0x3  }
0x59: {  	v3 =	vperm.xlane v3, v2  }
0x5a: {  	[tilespmem:s20], [sflag:$0x1] =	stream.indirect_vreg.gather [hbm4b:s1+s4], $0x80, v4, vm0, $0xb8;
	[tilespmem:$0x1E100] =	vst v63  }
0x5b: {  	v3 =	vadd.s32 v1, v3  }
0x5c: {  	[tilespmem:s24], [sflag:$0x1] =	stream.indirect_vreg.gather [hbm4b:s6+s4], $0x80, v4, vm0, $0xb8;
	[tilespmem:$0x1E100] =	vst v63  }
0x5d: {  	_ = 	snop  }
0x5e: {  	[tilespmem:s25], [sflag:$0x1] =	stream.indirect_vreg.gather [hbm4b:s7+s4], $0x80, v4, vm0, $0xb8;
	[tilespmem:$0x1E100] =	vst v63  }
0x5f: {  	_ = 	snop  }
0x60: {  	[tilespmem:s26], [sflag:$0x1] =	stream.indirect_vreg.gather [hbm4b:s1+s4], $0x80, v3, vm0, $0xb8;
	[tilespmem:$0x1E100] =	vst v63  }
0x61: {  	_ = 	snop  }
0x62: {  	[tilespmem:s28], [sflag:$0x1] =	stream.indirect_vreg.gather [hbm4b:s6+s4], $0x80, v3, vm0, $0xb8;
	[tilespmem:$0x1E100] =	vst v63  }
0x63: {  	_ = 	snop  }
0x64: {  	[tilespmem:s12], [sflag:$0x1] =	stream.indirect_vreg.gather [hbm4b:s7+s4], $0x80, v3, vm0, $0xb8;
	[tilespmem:$0x1E100] =	vst v63  }
0x65: {  	_ =	swait.ge [sflag:s21], $0x3000  }
0x66: {  	[sflag:s21] =	ssyncset.done $0x0  }
0x67: {  	s28 =	rddreg [dreg:$0xa];
	[sflag:s21] =	ssyncadd.s32 $0xFFFFD000  }
0x68: {  	[hbm4b:s28+s4] =	stream.linear.scatter [tilespmem:s18], [sflag:$0x2], $0x3000, $0x38;
	[tilespmem:$0x1E100] =	vst v63  }
0x69: {  	_ =	swait.ge [sflag:s22], $0x3000  }
0x6a: {  	[sflag:s22] =	ssyncset.done $0x0  }
0x6b: {  	[sflag:s22] =	ssyncadd.s32 $0xFFFFD000  }
0x6c: {  	v3 =	vld [tilespmem:$0xC0];
	_ =	sdelay $0x4  }
0x6d: {  	v60 =	vshrl.u32 v3, $0x3  }
0x6e: {  	v4 =	vmul.u32 $0x30, v60  }
0x6f: {  	v3 =	vand.u32 $0x7, v3  }
0x70: {  	v3 =	vor.u32 v3, v4  }
0x71: {  	v4 =	vperm.xlane v3, v0;
	_ =	sdelay $0x1  }
0x72: {  	v4 =	vadd.s32 v1, v4;
	_ =	sdelay $0x3  }
0x73: {  	v3 =	vperm.xlane v3, v2  }
0x74: {  	[tilespmem:s18], [sflag:$0x1] =	stream.indirect_vreg.gather [hbm4b:s1+s4], $0x80, v4, vm0, $0xb8;
	[tilespmem:$0x1E100] =	vst v63  }
0x75: {  	v3 =	vadd.s32 v1, v3  }
0x76: {  	[tilespmem:s29], [sflag:$0x1] =	stream.indirect_vreg.gather [hbm4b:s6+s4], $0x80, v4, vm0, $0xb8;
	[tilespmem:$0x1E100] =	vst v63  }
0x77: {  	s29 =	simm.s32 $0xA100  }
0x78: {  	[tilespmem:s29], [sflag:$0x1] =	stream.indirect_vreg.gather [hbm4b:s7+s4], $0x80, v4, vm0, $0xb8;
	[tilespmem:$0x1E100] =	vst v63  }
0x79: {  	s2 =	simm.s32 $0xA900  }
0x7a: {  	[tilespmem:s2], [sflag:$0x1] =	stream.indirect_vreg.gather [hbm4b:s1+s4], $0x80, v3, vm0, $0xb8;
	[tilespmem:$0x1E100] =	vst v63  }
0x7b: {  	s3 =	simm.s32 $0xB100  }
0x7c: {  	[tilespmem:s3], [sflag:$0x1] =	stream.indirect_vreg.gather [hbm4b:s6+s4], $0x80, v3, vm0, $0xb8;
	[tilespmem:$0x1E100] =	vst v63  }
0x7d: {  	s5 =	simm.s32 $0xB900  }
0x7e: {  	[tilespmem:s5], [sflag:$0x1] =	stream.indirect_vreg.gather [hbm4b:s7+s4], $0x80, v3, vm0, $0xb8;
	[tilespmem:$0x1E100] =	vst v63  }
0x7f: {  	_ =	swait.ge [sflag:s21], $0x3000  }
0x80: {  	[sflag:s21] =	ssyncset.done $0x0  }
0x81: {  	s10 =	rddreg [dreg:$0xb];
	[sflag:s21] =	ssyncadd.s32 $0xFFFFD000  }
0x82: {  	[hbm4b:s10+s4] =	stream.linear.scatter [tilespmem:s9], [sflag:$0x2], $0x3000, $0x38;
	[tilespmem:$0x1E100] =	vst v63  }
0x83: {  	_ =	swait.ge [sflag:s22], $0x3000  }
0x84: {  	[sflag:s22] =	ssyncset.done $0x0  }
0x85: {  	[sflag:s22] =	ssyncadd.s32 $0xFFFFD000  }
0x86: {  	v3 =	vld [tilespmem:$0xD0];
	_ =	sdelay $0x4  }
0x87: {  	v61 =	vshrl.u32 v3, $0x3  }
0x88: {  	v4 =	vmul.u32 $0x30, v61  }
0x89: {  	v3 =	vand.u32 $0x7, v3  }
0x8a: {  	v3 =	vor.u32 v3, v4  }
0x8b: {  	v4 =	vperm.xlane v3, v0;
	_ =	sdelay $0x1  }
0x8c: {  	v4 =	vadd.s32 v1, v4;
	_ =	sdelay $0x3  }
0x8d: {  	v3 =	vperm.xlane v3, v2  }
0x8e: {  	[tilespmem:s9], [sflag:$0x1] =	stream.indirect_vreg.gather [hbm4b:s1+s4], $0x80, v4, vm0, $0xb8;
	[tilespmem:$0x1E100] =	vst v63  }
0x8f: {  	s11 =	simm.s32 $0xC900;
	v3 =	vadd.s32 v1, v3  }
0x90: {  	[tilespmem:s11], [sflag:$0x1] =	stream.indirect_vreg.gather [hbm4b:s6+s4], $0x80, v4, vm0, $0xb8;
	[tilespmem:$0x1E100] =	vst v63  }
0x91: {  	s12 =	simm.s32 $0xD100  }
0x92: {  	[tilespmem:s12], [sflag:$0x1] =	stream.indirect_vreg.gather [hbm4b:s7+s4], $0x80, v4, vm0, $0xb8;
	[tilespmem:$0x1E100] =	vst v63  }
0x93: {  	s15 =	simm.s32 $0xD900  }
0x94: {  	[tilespmem:s15], [sflag:$0x1] =	stream.indirect_vreg.gather [hbm4b:s1+s4], $0x80, v3, vm0, $0xb8;
	[tilespmem:$0x1E100] =	vst v63  }
0x95: {  	s16 =	simm.s32 $0xE100  }
0x96: {  	[tilespmem:s16], [sflag:$0x1] =	stream.indirect_vreg.gather [hbm4b:s6+s4], $0x80, v3, vm0, $0xb8;
	[tilespmem:$0x1E100] =	vst v63  }
0x97: {  	s17 =	simm.s32 $0xE900  }
0x98: {  	[tilespmem:s17], [sflag:$0x1] =	stream.indirect_vreg.gather [hbm4b:s7+s4], $0x80, v3, vm0, $0xb8;
	[tilespmem:$0x1E100] =	vst v63  }
0x99: {  	_ =	swait.ge [sflag:s21], $0x3000  }
0x9a: {  	[sflag:s21] =	ssyncset.done $0x0  }
0x9b: {  	s19 =	rddreg [dreg:$0xc];
	[sflag:s21] =	ssyncadd.s32 $0xFFFFD000  }
0x9c: {  	[hbm4b:s19+s4] =	stream.linear.scatter [tilespmem:s14], [sflag:$0x2], $0x3000, $0x38;
	[tilespmem:$0x1E100] =	vst v63  }
0x9d: {  	_ =	swait.ge [sflag:s22], $0x3000  }
0x9e: {  	[sflag:s22] =	ssyncset.done $0x0  }
0x9f: {  	[sflag:s22] =	ssyncadd.s32 $0xFFFFD000  }
0xa0: {  	v3 =	vld [tilespmem:$0xE0];
	_ =	sdelay $0x4  }
0xa1: {  	v62 =	vshrl.u32 v3, $0x3  }
0xa2: {  	v4 =	vmul.u32 $0x30, v62  }
0xa3: {  	v3 =	vand.u32 $0x7, v3  }
0xa4: {  	v3 =	vor.u32 v3, v4  }
0xa5: {  	v4 =	vperm.xlane v3, v0;
	_ =	sdelay $0x1  }
0xa6: {  	v4 =	vadd.s32 v1, v4;
	_ =	sdelay $0x3  }
0xa7: {  	v3 =	vperm.xlane v3, v2  }
0xa8: {  	[tilespmem:s14], [sflag:$0x1] =	stream.indirect_vreg.gather [hbm4b:s1+s4], $0x80, v4, vm0, $0xb8;
	[tilespmem:$0x1E100] =	vst v63  }
0xa9: {  	s23 =	simm.s32 $0xF900;
	v3 =	vadd.s32 v1, v3  }
0xaa: {  	[tilespmem:s23], [sflag:$0x1] =	stream.indirect_vreg.gather [hbm4b:s6+s4], $0x80, v4, vm0, $0xb8;
	[tilespmem:$0x1E100] =	vst v63  }
0xab: {  	s24 =	simm.s32 $0x10100  }
0xac: {  	[tilespmem:s24], [sflag:$0x1] =	stream.indirect_vreg.gather [hbm4b:s7+s4], $0x80, v4, vm0, $0xb8;
	[tilespmem:$0x1E100] =	vst v63  }
0xad: {  	s25 =	simm.s32 $0x10900  }
0xae: {  	[tilespmem:s25], [sflag:$0x1] =	stream.indirect_vreg.gather [hbm4b:s1+s4], $0x80, v3, vm0, $0xb8;
	[tilespmem:$0x1E100] =	vst v63  }
0xaf: {  	s26 =	simm.s32 $0x11100  }
0xb0: {  	[tilespmem:s26], [sflag:$0x1] =	stream.indirect_vreg.gather [hbm4b:s6+s4], $0x80, v3, vm0, $0xb8;
	[tilespmem:$0x1E100] =	vst v63  }
0xb1: {  	s28 =	simm.s32 $0x11900  }
0xb2: {  	[tilespmem:s28], [sflag:$0x1] =	stream.indirect_vreg.gather [hbm4b:s7+s4], $0x80, v3, vm0, $0xb8;
	[tilespmem:$0x1E100] =	vst v63  }
0xb3: {  	_ =	swait.ge [sflag:s21], $0x3000  }
0xb4: {  	[sflag:s21] =	ssyncset.done $0x0  }
0xb5: {  	s29 =	rddreg [dreg:$0xd];
	[sflag:s21] =	ssyncadd.s32 $0xFFFFD000  }
0xb6: {  	[hbm4b:s29+s4] =	stream.linear.scatter [tilespmem:s8], [sflag:$0x2], $0x3000, $0x38;
	[tilespmem:$0x1E100] =	vst v63  }
0xb7: {  	_ =	swait.ge [sflag:s22], $0x3000  }
0xb8: {  	[sflag:s22] =	ssyncset.done $0x0  }
0xb9: {  	[sflag:s22] =	ssyncadd.s32 $0xFFFFD000  }
0xba: {  	v3 =	vld [tilespmem:$0xF0];
	_ =	sdelay $0x4  }
0xbb: {  	v63 =	vshrl.u32 v3, $0x3  }
0xbc: {  	v4 =	vmul.u32 $0x30, v63  }
0xbd: {  	v3 =	vand.u32 $0x7, v3  }
0xbe: {  	v3 =	vor.u32 v3, v4  }
0xbf: {  	v4 =	vperm.xlane v3, v0;
	_ =	sdelay $0x1  }
0xc0: {  	v4 =	vadd.s32 v1, v4;
	_ =	sdelay $0x3  }
0xc1: {  	v3 =	vperm.xlane v3, v2  }
0xc2: {  	[tilespmem:s8], [sflag:$0x1] =	stream.indirect_vreg.gather [hbm4b:s1+s4], $0x80, v4, vm0, $0xb8;
	[tilespmem:$0x1E100] =	vst v63  }
0xc3: {  	s2 =	simm.s32 $0x12900;
	v3 =	vadd.s32 v1, v3  }
0xc4: {  	[tilespmem:s2], [sflag:$0x1] =	stream.indirect_vreg.gather [hbm4b:s6+s4], $0x80, v4, vm0, $0xb8;
	[tilespmem:$0x1E100] =	vst v63  }
0xc5: {  	s3 =	simm.s32 $0x13100  }
0xc6: {  	[tilespmem:s3], [sflag:$0x1] =	stream.indirect_vreg.gather [hbm4b:s7+s4], $0x80, v4, vm0, $0xb8;
	[tilespmem:$0x1E100] =	vst v63  }
0xc7: {  	s5 =	simm.s32 $0x13900  }
0xc8: {  	[tilespmem:s5], [sflag:$0x1] =	stream.indirect_vreg.gather [hbm4b:s1+s4], $0x80, v3, vm0, $0xb8;
	[tilespmem:$0x1E100] =	vst v63  }
0xc9: {  	s10 =	simm.s32 $0x14100  }
0xca: {  	[tilespmem:s10], [sflag:$0x1] =	stream.indirect_vreg.gather [hbm4b:s6+s4], $0x80, v3, vm0, $0xb8;
	[tilespmem:$0x1E100] =	vst v63  }
0xcb: {  	s11 =	simm.s32 $0x14900  }
0xcc: {  	[tilespmem:s11], [sflag:$0x1] =	stream.indirect_vreg.gather [hbm4b:s7+s4], $0x80, v3, vm0, $0xb8;
	[tilespmem:$0x1E100] =	vst v63  }
0xcd: {  	_ =	swait.ge [sflag:s21], $0x3000  }
0xce: {  	[sflag:s21] =	ssyncset.done $0x0  }
0xcf: {  	s15 =	simm.s32 $0x15100;
	s12 =	rddreg [dreg:$0xe];
	[sflag:s21] =	ssyncadd.s32 $0xFFFFD000  }
0xd0: {  	[hbm4b:s12+s4] =	stream.linear.scatter [tilespmem:s15], [sflag:$0x2], $0x3000, $0x38;
	[tilespmem:$0x1E100] =	vst v63  }
0xd1: {  	_ =	swait.ge [sflag:s21], $0x3000  }
0xd2: {  	[sflag:s21] =	ssyncset.done $0x0  }
0xd3: {  	s17 =	simm.s32 $0x18100;
	s16 =	rddreg [dreg:$0xf];
	[sflag:s21] =	ssyncadd.s32 $0xFFFFD000  }
0xd4: {  	[hbm4b:s16+s4] =	stream.linear.scatter [tilespmem:s17], [sflag:$0x2], $0x3000, $0x38;
	[tilespmem:$0x1E100] =	vst v63  }
0xd5: {  	_ =	swait.ge [sflag:s21], $0x3000  }
0xd6: {  	[sflag:s21] =	ssyncset.done $0x0  }
0xd7: {  	s30 =	simm.s32 $0x100;
	s19 =	rddreg [dreg:$0x10];
	[sflag:s21] =	ssyncadd.s32 $0xFFFFD000  }
0xd8: {  	[hbm4b:s19+s4] =	stream.linear.scatter [tilespmem:s30], [sflag:$0x2], $0x3000, $0x38;
	[tilespmem:$0x1E100] =	vst v63  }
0xd9: {  	_ =	swait.ge [sflag:s21], $0x3000  }
0xda: {  	[sflag:s21] =	ssyncset.done $0x0  }
0xdb: {  	s23 =	rddreg [dreg:$0x11];
	[sflag:s21] =	ssyncadd.s32 $0xFFFFD000  }
0xdc: {  	[hbm4b:s23+s4] =	stream.linear.scatter [tilespmem:s13], [sflag:$0x2], $0x3000, $0x38;
	[tilespmem:$0x1E100] =	vst v63  }
0xdd: {  	_ =	swait.ge [sflag:s21], $0x3000  }
0xde: {  	[sflag:s21] =	ssyncset.done $0x0  }
0xdf: {  	s24 =	rddreg [dreg:$0x12];
	[sflag:s21] =	ssyncadd.s32 $0xFFFFD000  }
0xe0: {  	[hbm4b:s24+s4] =	stream.linear.scatter [tilespmem:s20], [sflag:$0x2], $0x3000, $0x38;
	[tilespmem:$0x1E100] =	vst v63  }
0xe1: {  	_ =	swait.ge [sflag:s21], $0x3000  }
0xe2: {  	[sflag:s21] =	ssyncset.done $0x0  }
0xe3: {  	s25 =	rddreg [dreg:$0x13];
	[sflag:s21] =	ssyncadd.s32 $0xFFFFD000  }
0xe4: {  	[hbm4b:s25+s4] =	stream.linear.scatter [tilespmem:s18], [sflag:$0x2], $0x3000, $0x38;
	[tilespmem:$0x1E100] =	vst v63  }
0xe5: {  	_ =	swait.ge [sflag:s21], $0x3000  }
0xe6: {  	[sflag:s21] =	ssyncset.done $0x0  }
0xe7: {  	s26 =	rddreg [dreg:$0x14];
	[sflag:s21] =	ssyncadd.s32 $0xFFFFD000  }
0xe8: {  	[hbm4b:s26+s4] =	stream.linear.scatter [tilespmem:s9], [sflag:$0x2], $0x3000, $0x38;
	[tilespmem:$0x1E100] =	vst v63  }
0xe9: {  	_ =	swait.ge [sflag:s21], $0x3000  }
0xea: {  	[sflag:s21] =	ssyncset.done $0x0  }
0xeb: {  	s28 =	rddreg [dreg:$0x15];
	[sflag:s21] =	ssyncadd.s32 $0xFFFFD000  }
0xec: {  	[hbm4b:s28+s4] =	stream.linear.scatter [tilespmem:s14], [sflag:$0x2], $0x3000, $0x38;
	[tilespmem:$0x1E100] =	vst v63  }
0xed: {  	_ =	swait.ge [sflag:s21], $0x3000  }
0xee: {  	[sflag:s21] =	ssyncset.done $0x0  }
0xef: {  	s29 =	rddreg [dreg:$0x16];
	[sflag:s21] =	ssyncadd.s32 $0xFFFFD000  }
0xf0: {  	[hbm4b:s29+s4] =	stream.linear.scatter [tilespmem:s8], [sflag:$0x2], $0x3000, $0x38;
	[tilespmem:$0x1E100] =	vst v63  }
0xf1: {  	_ =	swait.ge [sflag:s22], $0x3000  }
0xf2: {  	[sflag:s22] =	ssyncset.done $0x0  }
0xf3: {  	[sflag:s22] =	ssyncadd.s32 $0xFFFFD000  }
0xf4: {  	_ =	swait.ge [sflag:s22], $0x3000  }
0xf5: {  	[sflag:s22] =	ssyncset.done $0x0  }
0xf6: {  	[sflag:s22] =	ssyncadd.s32 $0xFFFFD000  }
0xf7: {  	_ =	swait.ge [sflag:s22], $0x3000  }
0xf8: {  	[sflag:s22] =	ssyncset.done $0x0  }
0xf9: {  	[sflag:s22] =	ssyncadd.s32 $0xFFFFD000  }
0xfa: {  	_ =	swait.ge [sflag:s22], $0x3000  }
0xfb: {  	[sflag:s22] =	ssyncset.done $0x0  }
0xfc: {  	[sflag:s22] =	ssyncadd.s32 $0xFFFFD000  }
0xfd: {  	_ =	swait.ge [sflag:s22], $0x3000  }
0xfe: {  	[sflag:s22] =	ssyncset.done $0x0  }
0xff: {  	[sflag:s22] =	ssyncadd.s32 $0xFFFFD000  }
0x100: {  	_ =	swait.ge [sflag:s22], $0x3000  }
0x101: {  	[sflag:s22] =	ssyncset.done $0x0  }
0x102: {  	[sflag:s22] =	ssyncadd.s32 $0xFFFFD000  }
0x103: {  	_ =	swait.ge [sflag:s22], $0x3000  }
0x104: {  	[sflag:s22] =	ssyncset.done $0x0  }
0x105: {  	[sflag:s22] =	ssyncadd.s32 $0xFFFFD000  }
0x106: {  	_ =	swait.ge [sflag:s22], $0x3000  }
0x107: {  	[sflag:s22] =	ssyncset.done $0x0  }
0x108: {  	[sflag:s22] =	ssyncadd.s32 $0xFFFFD000  }
0x109: {  	_ =	swait.ge [sflag:s22], $0x3000  }
0x10a: {  	s31 =	sadd.s32 $0x1, s31;
	s30 =	rddreg [dreg:$0x5]  }
0x10b: {  	p1 =	sne.s32 s31, s30  }
.Ltmp1:
0x10c: {  	_ = 	snop;
	(pc) =	sbr.rel @!p1 .LBB2_6-.Ltmp1, $3  }
0x10d: {  	_ =	sdelay $0x1  }
0x10e: {  	[sflag:s22] =	ssyncset.done $0x0  }
0x10f: {  	s3 =	simm.s32 $0x100;
	[sflag:s22] =	ssyncadd.s32 $0xFFFFD000  }
.LBB2_1:
0x110: {  	s0 =	rddreg [dreg:$0x7];
	s26 =	simm.s32 $0x4  }
0x111: {  	[tilespmem:s4], [sflag:$0x4] =	stream.linear.gather [hbm4b:s0+s4], $0x100, $0x38;
	[tilespmem:$0x1E100] =	vst v63  }
0x112: {  	_ =	swait.ge [sflag:s26], $0x100  }
0x113: {  	[sflag:s26] =	ssyncset.done $0x0  }
0x114: {  	[sflag:s26] =	ssyncadd.s32 $0xFFFFFF00  }
0x115: {  	s5 =	simm.s32 @!p0 $0x1B100;
	s0 =	simm.s32 @!p0 $0x0;
	s30 =	rddreg [dreg:$0x2]  }
0x116: {  	[tilespmem:s5], [sflag:$0x3] =	stream.linear.gather @!p0 [hbm4b:s30+s0], $0x3000, $0x38;
	[tilespmem:$0x1E100] =	vst v63  }
0x117: {  	v3 =	vld [tilespmem:$0x0];
	_ =	sdelay $0x4  }
0x118: {  	v4 =	vshrl.u32 v3, $0x3  }
0x119: {  	v4 =	vmul.u32 $0x30, v4  }
0x11a: {  	v3 =	vand.u32 $0x7, v3  }
0x11b: {  	v3 =	vor.u32 v3, v4  }
0x11c: {  	v4 =	vperm.xlane v3, v0;
	_ =	sdelay $0x1  }
0x11d: {  	v4 =	vadd.s32 v1, v4;
	_ =	sdelay $0x3  }
0x11e: {  	v3 =	vperm.xlane v3, v2  }
0x11f: {  	[tilespmem:s3], [sflag:$0x1] =	stream.indirect_vreg.gather [hbm4b:s1+s4], $0x80, v4, vm0, $0xb8;
	[tilespmem:$0x1E100] =	vst v63  }
0x120: {  	v3 =	vadd.s32 v1, v3;
	s3 =	simm.s32 $0x900  }
0x121: {  	[tilespmem:s3], [sflag:$0x1] =	stream.indirect_vreg.gather [hbm4b:s6+s4], $0x80, v4, vm0, $0xb8;
	[tilespmem:$0x1E100] =	vst v63  }
0x122: {  	s0 =	simm.s32 $0x1100  }
0x123: {  	[tilespmem:s0], [sflag:$0x1] =	stream.indirect_vreg.gather [hbm4b:s7+s4], $0x80, v4, vm0, $0xb8;
	[tilespmem:$0x1E100] =	vst v63  }
0x124: {  	s5 =	simm.s32 $0x1900  }
0x125: {  	[tilespmem:s5], [sflag:$0x1] =	stream.indirect_vreg.gather [hbm4b:s1+s4], $0x80, v3, vm0, $0xb8;
	[tilespmem:$0x1E100] =	vst v63  }
0x126: {  	s10 =	simm.s32 $0x2100  }
0x127: {  	[tilespmem:s10], [sflag:$0x1] =	stream.indirect_vreg.gather [hbm4b:s6+s4], $0x80, v3, vm0, $0xb8;
	[tilespmem:$0x1E100] =	vst v63  }
0x128: {  	s11 =	simm.s32 $0x2900  }
0x129: {  	[tilespmem:s11], [sflag:$0x1] =	stream.indirect_vreg.gather [hbm4b:s7+s4], $0x80, v3, vm0, $0xb8;
	[tilespmem:$0x1E100] =	vst v63  }
0x12a: {  	v3 =	vld [tilespmem:$0x10];
	_ =	sdelay $0x4  }
0x12b: {  	v56 =	vshrl.u32 v3, $0x3  }
0x12c: {  	v4 =	vmul.u32 $0x30, v56  }
0x12d: {  	v3 =	vand.u32 $0x7, v3  }
0x12e: {  	v3 =	vor.u32 v3, v4  }
0x12f: {  	v4 =	vperm.xlane v3, v0;
	_ =	sdelay $0x1  }
0x130: {  	v4 =	vadd.s32 v1, v4;
	_ =	sdelay $0x3  }
0x131: {  	s13 =	simm.s32 $0x3100;
	v3 =	vperm.xlane v3, v2  }
0x132: {  	[tilespmem:s13], [sflag:$0x1] =	stream.indirect_vreg.gather [hbm4b:s1+s4], $0x80, v4, vm0, $0xb8;
	[tilespmem:$0x1E100] =	vst v63  }
0x133: {  	s15 =	simm.s32 $0x3900;
	v3 =	vadd.s32 v1, v3  }
0x134: {  	[tilespmem:s15], [sflag:$0x1] =	stream.indirect_vreg.gather [hbm4b:s6+s4], $0x80, v4, vm0, $0xb8;
	[tilespmem:$0x1E100] =	vst v63  }
0x135: {  	s16 =	simm.s32 $0x4100  }
0x136: {  	[tilespmem:s16], [sflag:$0x1] =	stream.indirect_vreg.gather [hbm4b:s7+s4], $0x80, v4, vm0, $0xb8;
	[tilespmem:$0x1E100] =	vst v63  }
0x137: {  	s17 =	simm.s32 $0x4900  }
0x138: {  	[tilespmem:s17], [sflag:$0x1] =	stream.indirect_vreg.gather [hbm4b:s1+s4], $0x80, v3, vm0, $0xb8;
	[tilespmem:$0x1E100] =	vst v63  }
0x139: {  	s19 =	simm.s32 $0x5100  }
0x13a: {  	[tilespmem:s19], [sflag:$0x1] =	stream.indirect_vreg.gather [hbm4b:s6+s4], $0x80, v3, vm0, $0xb8;
	[tilespmem:$0x1E100] =	vst v63  }
0x13b: {  	s23 =	simm.s32 $0x5900  }
0x13c: {  	[tilespmem:s23], [sflag:$0x1] =	stream.indirect_vreg.gather [hbm4b:s7+s4], $0x80, v3, vm0, $0xb8;
	[tilespmem:$0x1E100] =	vst v63  }
0x13d: {  	v3 =	vld [tilespmem:$0x20];
	_ =	sdelay $0x4  }
0x13e: {  	v57 =	vshrl.u32 v3, $0x3  }
0x13f: {  	v4 =	vmul.u32 $0x30, v57  }
0x140: {  	v3 =	vand.u32 $0x7, v3  }
0x141: {  	v3 =	vor.u32 v3, v4  }
0x142: {  	v4 =	vperm.xlane v3, v0;
	_ =	sdelay $0x1  }
0x143: {  	v4 =	vadd.s32 v1, v4;
	_ =	sdelay $0x3  }
0x144: {  	s20 =	simm.s32 $0x6100;
	v3 =	vperm.xlane v3, v2  }
0x145: {  	[tilespmem:s20], [sflag:$0x1] =	stream.indirect_vreg.gather [hbm4b:s1+s4], $0x80, v4, vm0, $0xb8;
	[tilespmem:$0x1E100] =	vst v63  }
0x146: {  	s24 =	simm.s32 $0x6900;
	v3 =	vadd.s32 v1, v3  }
0x147: {  	[tilespmem:s24], [sflag:$0x1] =	stream.indirect_vreg.gather [hbm4b:s6+s4], $0x80, v4, vm0, $0xb8;
	[tilespmem:$0x1E100] =	vst v63  }
0x148: {  	s25 =	simm.s32 $0x7100  }
0x149: {  	[tilespmem:s25], [sflag:$0x1] =	stream.indirect_vreg.gather [hbm4b:s7+s4], $0x80, v4, vm0, $0xb8;
	[tilespmem:$0x1E100] =	vst v63  }
0x14a: {  	s26 =	simm.s32 $0x7900  }
0x14b: {  	[tilespmem:s26], [sflag:$0x1] =	stream.indirect_vreg.gather [hbm4b:s1+s4], $0x80, v3, vm0, $0xb8;
	[tilespmem:$0x1E100] =	vst v63  }
0x14c: {  	s28 =	simm.s32 $0x8100  }
0x14d: {  	[tilespmem:s28], [sflag:$0x1] =	stream.indirect_vreg.gather [hbm4b:s6+s4], $0x80, v3, vm0, $0xb8;
	[tilespmem:$0x1E100] =	vst v63  }
0x14e: {  	s12 =	simm.s32 $0x8900  }
0x14f: {  	[tilespmem:s12], [sflag:$0x1] =	stream.indirect_vreg.gather [hbm4b:s7+s4], $0x80, v3, vm0, $0xb8;
	[tilespmem:$0x1E100] =	vst v63  }
0x150: {  	v3 =	vld [tilespmem:$0x30];
	_ =	sdelay $0x4  }
0x151: {  	v58 =	vshrl.u32 v3, $0x3  }
0x152: {  	v4 =	vmul.u32 $0x30, v58  }
0x153: {  	v3 =	vand.u32 $0x7, v3  }
0x154: {  	v3 =	vor.u32 v3, v4  }
0x155: {  	v4 =	vperm.xlane v3, v0;
	_ =	sdelay $0x1  }
0x156: {  	v4 =	vadd.s32 v1, v4;
	_ =	sdelay $0x3  }
0x157: {  	s18 =	simm.s32 $0x9100;
	v3 =	vperm.xlane v3, v2  }
0x158: {  	[tilespmem:s18], [sflag:$0x1] =	stream.indirect_vreg.gather [hbm4b:s1+s4], $0x80, v4, vm0, $0xb8;
	[tilespmem:$0x1E100] =	vst v63  }
0x159: {  	s29 =	simm.s32 $0x9900;
	v3 =	vadd.s32 v1, v3  }
0x15a: {  	[tilespmem:s29], [sflag:$0x1] =	stream.indirect_vreg.gather [hbm4b:s6+s4], $0x80, v4, vm0, $0xb8;
	[tilespmem:$0x1E100] =	vst v63  }
0x15b: {  	s2 =	simm.s32 $0xA100  }
0x15c: {  	[tilespmem:s2], [sflag:$0x1] =	stream.indirect_vreg.gather [hbm4b:s7+s4], $0x80, v4, vm0, $0xb8;
	[tilespmem:$0x1E100] =	vst v63  }
0x15d: {  	s2 =	simm.s32 $0xA900  }
0x15e: {  	[tilespmem:s2], [sflag:$0x1] =	stream.indirect_vreg.gather [hbm4b:s1+s4], $0x80, v3, vm0, $0xb8;
	[tilespmem:$0x1E100] =	vst v63  }
0x15f: {  	s2 =	simm.s32 $0xB100  }
0x160: {  	[tilespmem:s2], [sflag:$0x1] =	stream.indirect_vreg.gather [hbm4b:s6+s4], $0x80, v3, vm0, $0xb8;
	[tilespmem:$0x1E100] =	vst v63  }
0x161: {  	s2 =	simm.s32 $0xB900  }
0x162: {  	[tilespmem:s2], [sflag:$0x1] =	stream.indirect_vreg.gather [hbm4b:s7+s4], $0x80, v3, vm0, $0xb8;
	[tilespmem:$0x1E100] =	vst v63  }
0x163: {  	v3 =	vld [tilespmem:$0x40];
	_ =	sdelay $0x4  }
0x164: {  	v59 =	vshrl.u32 v3, $0x3  }
0x165: {  	v4 =	vmul.u32 $0x30, v59  }
0x166: {  	v3 =	vand.u32 $0x7, v3  }
0x167: {  	v3 =	vor.u32 v3, v4  }
0x168: {  	v4 =	vperm.xlane v3, v0;
	_ =	sdelay $0x1  }
0x169: {  	v4 =	vadd.s32 v1, v4;
	_ =	sdelay $0x3  }
0x16a: {  	s9 =	simm.s32 $0xC100;
	v3 =	vperm.xlane v3, v2  }
0x16b: {  	[tilespmem:s9], [sflag:$0x1] =	stream.indirect_vreg.gather [hbm4b:s1+s4], $0x80, v4, vm0, $0xb8;
	[tilespmem:$0x1E100] =	vst v63  }
0x16c: {  	s2 =	simm.s32 $0xC900;
	v3 =	vadd.s32 v1, v3  }
0x16d: {  	[tilespmem:s2], [sflag:$0x1] =	stream.indirect_vreg.gather [hbm4b:s6+s4], $0x80, v4, vm0, $0xb8;
	[tilespmem:$0x1E100] =	vst v63  }
0x16e: {  	s2 =	simm.s32 $0xD100  }
0x16f: {  	[tilespmem:s2], [sflag:$0x1] =	stream.indirect_vreg.gather [hbm4b:s7+s4], $0x80, v4, vm0, $0xb8;
	[tilespmem:$0x1E100] =	vst v63  }
0x170: {  	s2 =	simm.s32 $0xD900  }
0x171: {  	[tilespmem:s2], [sflag:$0x1] =	stream.indirect_vreg.gather [hbm4b:s1+s4], $0x80, v3, vm0, $0xb8;
	[tilespmem:$0x1E100] =	vst v63  }
0x172: {  	s2 =	simm.s32 $0xE100  }
0x173: {  	[tilespmem:s2], [sflag:$0x1] =	stream.indirect_vreg.gather [hbm4b:s6+s4], $0x80, v3, vm0, $0xb8;
	[tilespmem:$0x1E100] =	vst v63  }
0x174: {  	s2 =	simm.s32 $0xE900  }
0x175: {  	[tilespmem:s2], [sflag:$0x1] =	stream.indirect_vreg.gather [hbm4b:s7+s4], $0x80, v3, vm0, $0xb8;
	[tilespmem:$0x1E100] =	vst v63  }
0x176: {  	v3 =	vld [tilespmem:$0x50];
	_ =	sdelay $0x4  }
0x177: {  	v60 =	vshrl.u32 v3, $0x3  }
0x178: {  	v4 =	vmul.u32 $0x30, v60  }
0x179: {  	v3 =	vand.u32 $0x7, v3  }
0x17a: {  	v3 =	vor.u32 v3, v4  }
0x17b: {  	v4 =	vperm.xlane v3, v0;
	_ =	sdelay $0x1  }
0x17c: {  	v4 =	vadd.s32 v1, v4;
	_ =	sdelay $0x3  }
0x17d: {  	s14 =	simm.s32 $0xF100;
	v3 =	vperm.xlane v3, v2  }
0x17e: {  	[tilespmem:s14], [sflag:$0x1] =	stream.indirect_vreg.gather [hbm4b:s1+s4], $0x80, v4, vm0, $0xb8;
	[tilespmem:$0x1E100] =	vst v63  }
0x17f: {  	s30 =	simm.s32 $0xF900;
	v3 =	vadd.s32 v1, v3  }
0x180: {  	[tilespmem:s30], [sflag:$0x1] =	stream.indirect_vreg.gather [hbm4b:s6+s4], $0x80, v4, vm0, $0xb8;
	[tilespmem:$0x1E100] =	vst v63  }
0x181: {  	s30 =	simm.s32 $0x10100  }
0x182: {  	[tilespmem:s30], [sflag:$0x1] =	stream.indirect_vreg.gather [hbm4b:s7+s4], $0x80, v4, vm0, $0xb8;
	[tilespmem:$0x1E100] =	vst v63  }
0x183: {  	s30 =	simm.s32 $0x10900  }
0x184: {  	[tilespmem:s30], [sflag:$0x1] =	stream.indirect_vreg.gather [hbm4b:s1+s4], $0x80, v3, vm0, $0xb8;
	[tilespmem:$0x1E100] =	vst v63  }
0x185: {  	s30 =	simm.s32 $0x11100  }
0x186: {  	[tilespmem:s30], [sflag:$0x1] =	stream.indirect_vreg.gather [hbm4b:s6+s4], $0x80, v3, vm0, $0xb8;
	[tilespmem:$0x1E100] =	vst v63  }
0x187: {  	s30 =	simm.s32 $0x11900  }
0x188: {  	[tilespmem:s30], [sflag:$0x1] =	stream.indirect_vreg.gather [hbm4b:s7+s4], $0x80, v3, vm0, $0xb8;
	[tilespmem:$0x1E100] =	vst v63  }
0x189: {  	v3 =	vld [tilespmem:$0x60];
	_ =	sdelay $0x4  }
0x18a: {  	v61 =	vshrl.u32 v3, $0x3  }
0x18b: {  	v4 =	vmul.u32 $0x30, v61  }
0x18c: {  	v3 =	vand.u32 $0x7, v3  }
0x18d: {  	v3 =	vor.u32 v3, v4  }
0x18e: {  	v4 =	vperm.xlane v3, v0;
	_ =	sdelay $0x1  }
0x18f: {  	v4 =	vadd.s32 v1, v4;
	_ =	sdelay $0x3  }
0x190: {  	s8 =	simm.s32 $0x12100;
	v3 =	vperm.xlane v3, v2  }
0x191: {  	[tilespmem:s8], [sflag:$0x1] =	stream.indirect_vreg.gather [hbm4b:s1+s4], $0x80, v4, vm0, $0xb8;
	[tilespmem:$0x1E100] =	vst v63  }
0x192: {  	s30 =	simm.s32 $0x12900;
	v3 =	vadd.s32 v1, v3  }
0x193: {  	[tilespmem:s30], [sflag:$0x1] =	stream.indirect_vreg.gather [hbm4b:s6+s4], $0x80, v4, vm0, $0xb8;
	[tilespmem:$0x1E100] =	vst v63  }
0x194: {  	s30 =	simm.s32 $0x13100  }
0x195: {  	[tilespmem:s30], [sflag:$0x1] =	stream.indirect_vreg.gather [hbm4b:s7+s4], $0x80, v4, vm0, $0xb8;
	[tilespmem:$0x1E100] =	vst v63  }
0x196: {  	s30 =	simm.s32 $0x13900  }
0x197: {  	[tilespmem:s30], [sflag:$0x1] =	stream.indirect_vreg.gather [hbm4b:s1+s4], $0x80, v3, vm0, $0xb8;
	[tilespmem:$0x1E100] =	vst v63  }
0x198: {  	s30 =	simm.s32 $0x14100  }
0x199: {  	[tilespmem:s30], [sflag:$0x1] =	stream.indirect_vreg.gather [hbm4b:s6+s4], $0x80, v3, vm0, $0xb8;
	[tilespmem:$0x1E100] =	vst v63  }
0x19a: {  	s30 =	simm.s32 $0x14900  }
0x19b: {  	[tilespmem:s30], [sflag:$0x1] =	stream.indirect_vreg.gather [hbm4b:s7+s4], $0x80, v3, vm0, $0xb8;
	[tilespmem:$0x1E100] =	vst v63  }
0x19c: {  	v3 =	vld [tilespmem:$0x70];
	_ =	sdelay $0x4  }
0x19d: {  	v62 =	vshrl.u32 v3, $0x3  }
0x19e: {  	v4 =	vmul.u32 $0x30, v62  }
0x19f: {  	v3 =	vand.u32 $0x7, v3  }
0x1a0: {  	v3 =	vor.u32 v3, v4  }
0x1a1: {  	v4 =	vperm.xlane v3, v0;
	_ =	sdelay $0x1  }
0x1a2: {  	v4 =	vadd.s32 v1, v4;
	_ =	sdelay $0x3  }
0x1a3: {  	s30 =	simm.s32 $0x15100;
	v3 =	vperm.xlane v3, v2  }
0x1a4: {  	[tilespmem:s30], [sflag:$0x1] =	stream.indirect_vreg.gather [hbm4b:s1+s4], $0x80, v4, vm0, $0xb8;
	[tilespmem:$0x1E100] =	vst v63  }
0x1a5: {  	s2 =	simm.s32 $0x15900;
	v3 =	vadd.s32 v1, v3  }
0x1a6: {  	[tilespmem:s2], [sflag:$0x1] =	stream.indirect_vreg.gather [hbm4b:s6+s4], $0x80, v4, vm0, $0xb8;
	[tilespmem:$0x1E100] =	vst v63  }
0x1a7: {  	s2 =	simm.s32 $0x16100  }
0x1a8: {  	[tilespmem:s2], [sflag:$0x1] =	stream.indirect_vreg.gather [hbm4b:s7+s4], $0x80, v4, vm0, $0xb8;
	[tilespmem:$0x1E100] =	vst v63  }
0x1a9: {  	s2 =	simm.s32 $0x16900  }
0x1aa: {  	[tilespmem:s2], [sflag:$0x1] =	stream.indirect_vreg.gather [hbm4b:s1+s4], $0x80, v3, vm0, $0xb8;
	[tilespmem:$0x1E100] =	vst v63  }
0x1ab: {  	s2 =	simm.s32 $0x17100  }
0x1ac: {  	[tilespmem:s2], [sflag:$0x1] =	stream.indirect_vreg.gather [hbm4b:s6+s4], $0x80, v3, vm0, $0xb8;
	[tilespmem:$0x1E100] =	vst v63  }
0x1ad: {  	s2 =	simm.s32 $0x17900  }
0x1ae: {  	[tilespmem:s2], [sflag:$0x1] =	stream.indirect_vreg.gather [hbm4b:s7+s4], $0x80, v3, vm0, $0xb8;
	[tilespmem:$0x1E100] =	vst v63  }
0x1af: {  	v3 =	vld [tilespmem:$0x80];
	_ =	sdelay $0x4  }
0x1b0: {  	v63 =	vshrl.u32 v3, $0x3  }
0x1b1: {  	v4 =	vmul.u32 $0x30, v63  }
0x1b2: {  	v3 =	vand.u32 $0x7, v3  }
0x1b3: {  	v3 =	vor.u32 v3, v4  }
0x1b4: {  	v4 =	vperm.xlane v3, v0;
	_ =	sdelay $0x1  }
0x1b5: {  	v4 =	vadd.s32 v1, v4;
	_ =	sdelay $0x3  }
0x1b6: {  	s30 =	simm.s32 $0x18100;
	v3 =	vperm.xlane v3, v2  }
0x1b7: {  	[tilespmem:s30], [sflag:$0x1] =	stream.indirect_vreg.gather [hbm4b:s1+s4], $0x80, v4, vm0, $0xb8;
	[tilespmem:$0x1E100] =	vst v63  }
0x1b8: {  	s2 =	simm.s32 $0x18900;
	v3 =	vadd.s32 v1, v3  }
0x1b9: {  	[tilespmem:s2], [sflag:$0x1] =	stream.indirect_vreg.gather [hbm4b:s6+s4], $0x80, v4, vm0, $0xb8;
	[tilespmem:$0x1E100] =	vst v63  }
0x1ba: {  	s2 =	simm.s32 $0x19100  }
0x1bb: {  	[tilespmem:s2], [sflag:$0x1] =	stream.indirect_vreg.gather [hbm4b:s7+s4], $0x80, v4, vm0, $0xb8;
	[tilespmem:$0x1E100] =	vst v63  }
0x1bc: {  	s2 =	simm.s32 $0x19900  }
0x1bd: {  	[tilespmem:s2], [sflag:$0x1] =	stream.indirect_vreg.gather [hbm4b:s1+s4], $0x80, v3, vm0, $0xb8;
	[tilespmem:$0x1E100] =	vst v63  }
0x1be: {  	s2 =	simm.s32 $0x1A100  }
0x1bf: {  	[tilespmem:s2], [sflag:$0x1] =	stream.indirect_vreg.gather [hbm4b:s6+s4], $0x80, v3, vm0, $0xb8;
	[tilespmem:$0x1E100] =	vst v63  }
.Ltmp2:
0x1c0: {  	s2 =	simm.s32 $0x1A900;
	(pc) =	sbr.rel @p0 .LBB2_5-.Ltmp2, $4  }
0x1c1: {  	[tilespmem:s2], [sflag:$0x1] =	stream.indirect_vreg.gather [hbm4b:s7+s4], $0x80, v3, vm0, $0xb8;
	[tilespmem:$0x1E100] =	vst v63  }
0x1c2: {  	_ =	swait.ge [sflag:s21], $0x3000  }
0x1c3: {  	[sflag:s21] =	ssyncset.done $0x0  }
0x1c4: {  	[sflag:s21] =	ssyncadd.s32 $0xFFFFD000  }
0x1c5: {  	s9 =	simm.s32 $0x3  }
0x1c6: {  	s0 =	simm.s32 $0x0;
	_ =	swait.ge [sflag:s9], $0x3000  }
0x1c7: {  	s5 =	sand.u32 $0x70, s0;
	s23 =	sand.u32 $0x1C00, s0;
	[sflag:s9] =	ssyncset.done $0x0  }
0x1c8: {  	s23 =	sor.u32 s5, s23;
	[sflag:s9] =	ssyncadd.s32 $0xFFFFD000  }
0x1c9: {  	v7 =	vld [tilespmem:s23+$0x1B100]  }
0x1ca: {  	v6 =	vld [tilespmem:s23+$0x1B180]  }
0x1cb: {  	v3 =	vld [tilespmem:s23+$0x1B200]  }
0x1cc: {  	v4 =	vld [tilespmem:s23+$0x1B280]  }
0x1cd: {  	s24 =	simm.s32 $0x0;
	s5 =	simm.s32 $0x10;
	v5 =	vld [tilespmem:s23+$0x1B300]  }
.LBB2_3:
0x1ce: {  	p1 =	sne.s32 s5, $0x2F0;
	[tilespmem:s23+$0x100] =	vst v7;
	v7 =	vld [tilespmem:s23+$0x1B380]  }
0x1cf: {  	[tilespmem:s23+$0x180] =	vst v6;
	v6 =	vld [tilespmem:s23+$0x1B400]  }
0x1d0: {  	[tilespmem:s23+$0x200] =	vst v3  }
0x1d1: {  	[tilespmem:s23+$0x280] =	vst v4  }
0x1d2: {  	[tilespmem:s23+$0x300] =	vst v5  }
0x1d3: {  	s9 =	sor.u32 s24, s0;
	s0 =	smov.u32 s5;
	[tilespmem:s23+$0x380] =	vst v7  }
0x1d4: {  	s9 =	sor.u32 $0x380, s9;
	[tilespmem:s23+$0x400] =	vst v6  }
0x1d5: {  	v3 =	vld [tilespmem:s9+$0x1B100];
	_ =	sdelay $0x4  }
0x1d6: {  	s24 =	sadd.s32 $0x80, s24;
	[tilespmem:s9+$0x100] =	vst v3  }
0x1d7: {  	s10 =	sand.u32 $0x1C00, s24;
	s9 =	sand.u32 $0x70, s5;
	v5 =	vld [tilespmem:s23+$0x1C900]  }
0x1d8: {  	s9 =	sor.u32 s9, s10;
	v8 =	vld [tilespmem:s23+$0x1C980]  }
.Ltmp3:
0x1d9: {  	v7 =	vld [tilespmem:s9+$0x1B100];
	(pc) =	sbr.rel @p1 .LBB2_3-.Ltmp3, $4  }
0x1da: {  	v6 =	vld [tilespmem:s9+$0x1B180]  }
0x1db: {  	v3 =	vld [tilespmem:s9+$0x1B200]  }
0x1dc: {  	v4 =	vld [tilespmem:s9+$0x1B280];
	[tilespmem:s23+$0x1900] =	vst v5  }
0x1dd: {  	s5 =	sadd.s32 $0x10, s5;
	v5 =	vld [tilespmem:s9+$0x1B300];
	[tilespmem:s23+$0x1980] =	vst v8;
	s23 =	smov.u32 s9  }
0x1de: {  	[tilespmem:s23+$0x100] =	vst v7;
	v61 =	vld [tilespmem:s23+$0x1B380]  }
0x1df: {  	v62 =	vld [tilespmem:s23+$0x1B400];
	[tilespmem:s23+$0x180] =	vst v6  }
0x1e0: {  	[tilespmem:s23+$0x200] =	vst v3  }
0x1e1: {  	[tilespmem:s23+$0x280] =	vst v4  }
0x1e2: {  	[tilespmem:s23+$0x300] =	vst v5  }
0x1e3: {  	s0 =	sor.u32 s24, s0;
	[tilespmem:s23+$0x380] =	vst v61  }
0x1e4: {  	s0 =	sor.u32 $0x380, s0;
	[tilespmem:s23+$0x400] =	vst v62  }
0x1e5: {  	v3 =	vld [tilespmem:s0+$0x1B100];
	_ =	sdelay $0x4  }
0x1e6: {  	s3 =	simm.s32 $0x900;
	s5 =	simm.s32 $0x1900;
	[tilespmem:s0+$0x100] =	vst v3  }
0x1e7: {  	s10 =	simm.s32 $0x2100;
	s11 =	simm.s32 $0x2900;
	s13 =	simm.s32 $0x3100;
	v3 =	vld [tilespmem:s23+$0x1C900]  }
0x1e8: {  	s15 =	simm.s32 $0x3900;
	s16 =	simm.s32 $0x4100;
	s17 =	simm.s32 $0x4900;
	v63 =	vld [tilespmem:s23+$0x1C980]  }
.Ltmp4:
0x1e9: {  	s19 =	simm.s32 $0x5100;
	s20 =	simm.s32 $0x6100;
	(pc) =	sbr.rel .LBB2_5-.Ltmp4, $4  }
0x1ea: {  	s24 =	simm.s32 $0x6900;
	s25 =	simm.s32 $0x7100;
	s26 =	simm.s32 $0x7900  }
0x1eb: {  	s28 =	simm.s32 $0x8100;
	s12 =	simm.s32 $0x8900;
	s18 =	simm.s32 $0x9100  }
0x1ec: {  	s29 =	simm.s32 $0x9900;
	s9 =	simm.s32 $0xC100;
	s14 =	simm.s32 $0xF100;
	[tilespmem:s23+$0x1900] =	vst v3  }
0x1ed: {  	s8 =	simm.s32 $0x12100;
	s0 =	simm.s32 $0x1100;
	[tilespmem:s23+$0x1980] =	vst v63;
	s23 =	simm.s32 $0x5900  }
.LBB2_6:
0x1ee: {  	_ =	sfence.sel $0x180000  }
0x1ef: {  	[bflag:$0x0] =	sbarrier.arrive $0xFFFF  }
0x1f0: {  	_ =	strace $0x90000047  }
0x1f1: {  	s0 =	stileid.u32;
	[bflag:$0x2] =	sbarrier.arrive $0xFFFF  }
0x1f2: {  	p0 =	sne.s32 s0, $0x0;
	s0 =	rddreg [dreg:$0x4]  }
0x1f3: {  	s0 =	sadd.s32 @!p0 $0x100000, s0  }
0x1f4: {  	[sflag:s0] =	ssyncadd.tile.s32 @!p0 $0x1;
	_ =	shalt  }
.Lfunc_end2:
_tile_overlayer_lowered:
.L_overlay_start_2:
0x1f5: {  	(tag) =	ssettag $0x2  }
0x1f6: {  	s0 =	rddreg [dreg:$0x0];
	s2 =	stileid.u32  }
0x1f7: {  	s1 =	rddreg [dreg:$0x1];
	p0 =	sne.s32 s2, $0x0  }
0x1f8: {  	s3 =	rddreg [dreg:$0x2];
	[bflag:$0x3] =	sbarrier.arrive $0xFFFF;
	s2 =	simm.s32 @!p0 $0x1C04  }
0x1f9: {  	[timem:s3], [sflag:s2] =	dma.local @!p0 [hbm:s0], s1  }
0x1fa: {  	s0 =	simm.s32 @!p0 $0x4  }
0x1fb: {  	_ =	swait.ge @!p0 [sflag:s0], s1  }
0x1fc: {  	s1 =	ssub.s32 @!p0 $0x0, s1;
	[sflag:s0] =	ssyncset.done @!p0 $0x0  }
0x1fd: {  	[sflag:s0] =	ssyncadd.s32 @!p0 s1  }
0x1fe: {  	[bflag:$0x3] =	sbarrier.arrive $0xFFFF  }
0x1ff: {  	_ =	shalt  }

</sc_bundles>
